<compile_context>
chip_gen: v7x
topology: tpu7x:2x2x1
jax: 0.10.2.dev20260603
libtpu: 0.0.44.dev20260713+nightly
codegen_flags: <defaults>
</compile_context>

<pallas_src>
import functools

import jax
import jax.numpy as jnp
from jax import lax
from jax.experimental import pallas as pl
from jax.experimental.pallas import tpu as pltpu
from jax.experimental.pallas import tpu_sc as plsc

NC = 1
NS = 16
L = 16
NW = NC * NS

T = 1024
B = 4096
R_SPLIT = 896

COLS = B // NW
VPR = COLS // L
CH = 128
NCH = (T - R_SPLIT) // CH
NACC = 4
NBUF = 2 if NCH > 1 else 1

BR = 224
assert R_SPLIT % BR == 0 and R_SPLIT % CH == 0 and (T - R_SPLIT) % CH == 0
TC_GRID = R_SPLIT // BR


def _term(carry, pf_row, pb_row, lf_next_row):
    accs = list(carry[:NACC])
    lf_row = carry[NACC:]
    for jj in range(VPR):
        v = lf_row[jj] + pf_row[jj] - lf_next_row[jj] - pb_row[jj]
        accs[jj % NACC] = accs[jj % NACC] + v * v
    return (*accs, *lf_next_row)


def _sc_partial_sums(log_pf, log_pb, log_flows, log_reward):
    mesh = plsc.VectorSubcoreMesh(core_axis_name="c", subcore_axis_name="s",
                                  num_cores=NC)

    @functools.partial(
        pl.kernel,
        out_type=jax.ShapeDtypeStruct((NW * L,), jnp.float32),
        mesh=mesh,
        scratch_types=[
            pltpu.VMEM((NBUF, CH, COLS), jnp.float32),
            pltpu.VMEM((NBUF, CH, COLS), jnp.float32),
            pltpu.VMEM((NBUF, CH, COLS), jnp.float32),
            pltpu.VMEM((COLS,), jnp.float32),
            pltpu.VMEM((L,), jnp.float32),
            pltpu.SemaphoreType.DMA,
            pltpu.SemaphoreType.DMA,
            pltpu.SemaphoreType.DMA,
        ],
    )
    def k(pf_hbm, pb_hbm, lf_hbm, rew_hbm, out_hbm,
          pf_v, pb_v, lf_v, rew_v, acc_v, sem0, sem1, semr):
        cid = lax.axis_index("c")
        sid = lax.axis_index("s")
        wid = sid * NC + cid
        col0 = wid * COLS
        sems = [sem0, sem1]

        def start(c, b):
            r = R_SPLIT + c * CH
            cs = pl.ds(col0, COLS)
            return [
                pltpu.async_copy(pf_hbm.at[pl.ds(r, CH), cs], pf_v.at[b], sems[b]),
                pltpu.async_copy(pb_hbm.at[pl.ds(r, CH), cs], pb_v.at[b], sems[b]),
                pltpu.async_copy(lf_hbm.at[pl.ds(r, CH), cs], lf_v.at[b], sems[b]),
            ]

        hrew = pltpu.async_copy(rew_hbm.at[pl.ds(col0, COLS)], rew_v, semr)
        handles = [start(0, 0), None]

        def load_row(ref, b, i):
            return tuple(ref[b, i, pl.ds(jj * L, L)] for jj in range(VPR))

        zeros = tuple(jnp.zeros((L,), jnp.float32) for _ in range(NACC))
        carry = None
        for c in range(NCH):
            b = c % NBUF
            for h in handles[b]:
                h.wait()
            if c == 0:
                carry = (*zeros, *load_row(lf_v, 0, 0))
            else:
                carry = _term(carry, load_row(pf_v, b ^ 1, CH - 1),
                              load_row(pb_v, b ^ 1, CH - 1),
                              load_row(lf_v, b, 0))
            if c + 1 < NCH:
                handles[b ^ 1] = start(c + 1, b ^ 1)

            def row_body(i, cr, _b=b):
                return _term(cr, load_row(pf_v, _b, i), load_row(pb_v, _b, i),
                             load_row(lf_v, _b, i + 1))
            carry = lax.fori_loop(0, CH - 1, row_body, carry)

        hrew.wait()
        b = (NCH - 1) % NBUF
        rew_row = tuple(rew_v[pl.ds(jj * L, L)] for jj in range(VPR))
        carry = _term(carry, load_row(pf_v, b, CH - 1),
                      load_row(pb_v, b, CH - 1), rew_row)

        acc = carry[0]
        for a in carry[1:NACC]:
            acc = acc + a
        acc_v[...] = acc
        pltpu.sync_copy(acc_v, out_hbm.at[pl.ds(wid * L, L)])

    return k(log_pf, log_pb, log_flows, log_reward)


def _tc_body(pf_ref, pb_ref, lf_ref, lfn_ref, out_ref, acc_ref):
    i = pl.program_id(0)

    @pl.when(i == 0)
    def _():
        acc_ref[...] = jnp.zeros_like(acc_ref)

    lf = lf_ref[...]
    lf_next = jnp.concatenate([lf[1:], lfn_ref[0:1]], axis=0)
    diff = lf + pf_ref[...] - lf_next - pb_ref[...]
    d2 = diff * diff
    for k in range(BR // 8):
        acc_ref[...] += d2[k * 8:(k + 1) * 8, :]

    @pl.when(i == TC_GRID - 1)
    def _():
        out_ref[0, 0] = jnp.sum(acc_ref[...])


def _tc_partial_sum(log_pf, log_pb, log_flows):
    return pl.pallas_call(
        _tc_body,
        grid=(TC_GRID,),
        in_specs=[
            pl.BlockSpec((BR, B), lambda i: (i, 0)),
            pl.BlockSpec((BR, B), lambda i: (i, 0)),
            pl.BlockSpec((BR, B), lambda i: (i, 0)),
            pl.BlockSpec((8, B), lambda i: ((i + 1) * (BR // 8), 0)),
        ],
        out_specs=pl.BlockSpec(memory_space=pltpu.SMEM),
        out_shape=jax.ShapeDtypeStruct((1, 1), jnp.float32),
        scratch_shapes=[pltpu.VMEM((8, B), jnp.float32)],
        compiler_params=pltpu.CompilerParams(
            dimension_semantics=("arbitrary",)),
    )(log_pf, log_pb, log_flows, log_flows)


def kernel(log_pf, log_pb, log_flows, log_reward, step_mask):
    del step_mask
    tc_part = _tc_partial_sum(log_pf, log_pb, log_flows)
    sc_part = _sc_partial_sums(log_pf, log_pb, log_flows, log_reward)
    return (jnp.sum(sc_part) + tc_part[0, 0]) / (T * B)

# --- scband reference (transcript-rebuilt; emitter-appended) ---
"""Pipeline reference for scband-detailed-balance-24696061952625 (READ-ONLY COPY).

The authoritative reference and input builder live on the scoring server;
editing this copy changes nothing except your own understanding.
"""

import jax, jax.numpy as jnp
import numpy as np

T_STEPS = 1024
BATCH = 4096


def setup_inputs(seed: int = 0) -> dict:
    key = jax.random.key(seed)
    k1, k2, k3, k4 = jax.random.split(key, 4)
    log_pf = jax.random.normal(k1, (T_STEPS, BATCH), dtype=jnp.float32)
    log_pb = jax.random.normal(k2, (T_STEPS, BATCH), dtype=jnp.float32)
    log_flows = jax.random.normal(k3, (T_STEPS + 1, BATCH), dtype=jnp.float32)
    log_reward = jax.random.normal(k4, (BATCH,), dtype=jnp.float32)
    step_mask = jnp.ones((T_STEPS, BATCH), dtype=bool)
    return {
        "log_pf": log_pf,
        "log_pb": log_pb,
        "log_flows": log_flows,
        "log_reward": log_reward,
        "step_mask": step_mask,
    }


def reference(log_pf, log_pb, log_flows, log_reward, step_mask):
    T, B = log_pf.shape
    log_F_s = log_flows[:-1]
    log_F_next = log_flows[1:]
    lengths = step_mask.sum(axis=0).astype(jnp.int32)
    last_step_indices = lengths - 1
    batch_indices = jnp.arange(B, dtype=jnp.int32)
    # overwrite the flow at the terminal step of each trajectory with log R(s_T)
    targets_next = log_F_next.at[last_step_indices, batch_indices].set(log_reward)
    diff = log_F_s + log_pf - targets_next - log_pb
    diff = diff * step_mask
    loss = (diff ** 2).sum() / step_mask.sum()
    return loss

if __name__ == "__main__":
    import jax
    _d = setup_inputs()
    print(jax.jit(kernel)(*tuple(_d.values())))

</pallas_src>

<mosaic_0001>
#map = affine_map<(d0, d1) -> (0, 0)>
#map1 = affine_map<(d0, d1) -> (0)>
module attributes {stable_mosaic.version = 14 : i64} {
  func.func @k(%arg0: i32, %arg1: i32, %arg2: memref<1024x4096xf32, #tpu.memory_space<hbm>>, %arg3: memref<1024x4096xf32, #tpu.memory_space<hbm>>, %arg4: memref<1025x4096xf32, #tpu.memory_space<hbm>>, %arg5: memref<4096xf32, #tpu.memory_space<hbm>>, %arg6: memref<256xf32, #tpu.memory_space<hbm>>, %arg7: memref<1x128x256xf32, #tpu.memory_space<vmem>>, %arg8: memref<1x128x256xf32, #tpu.memory_space<vmem>>, %arg9: memref<1x128x256xf32, #tpu.memory_space<vmem>>, %arg10: memref<256xf32, #tpu.memory_space<vmem>>, %arg11: memref<16xf32, #tpu.memory_space<vmem>>, %arg12: memref<!tpu.dma_semaphore, #tpu.memory_space<semaphore_mem>>, %arg13: memref<!tpu.dma_semaphore, #tpu.memory_space<semaphore_mem>>, %arg14: memref<!tpu.dma_semaphore, #tpu.memory_space<semaphore_mem>>) attributes {dimension_semantics = [#tpu.dimension_semantics<core_parallel>, #tpu.dimension_semantics<subcore_parallel>], iteration_bounds = array<i64: 1, 16>, scalar_prefetch = 0 : i64, scratch_operands = 8 : i64, tpu.core_type = #tpu.core_type<sc_vector_subcore>, window_params = [{transform_indices = #map}, {transform_indices = #map}, {transform_indices = #map}, {transform_indices = #map1}, {transform_indices = #map1}]} {
    %mul3A = arith.constant 1 : i32
    %mul3A_0 = arith.muli %arg1, %mul3A : i32
    %add3A = arith.addi %mul3A_0, %arg0 : i32
    %mul3A_1 = arith.constant 256 : i32
    %mul3A_2 = arith.muli %add3A, %mul3A_1 : i32
    %dma_start3A = tpu.memref_slice %arg5[%mul3A_2] : memref<4096xf32, #tpu.memory_space<hbm>> -> memref<256xf32, #tpu.memory_space<hbm>>
    %dma_start3A_3 = tpu.memref_slice %arg5[%mul3A_2] : memref<4096xf32, #tpu.memory_space<hbm>> -> memref<256xf32, #tpu.memory_space<hbm>>
    tpu.enqueue_dma source(%dma_start3A_3 : memref<256xf32, #tpu.memory_space<hbm>>) target(%arg10 : memref<256xf32, #tpu.memory_space<vmem>>) target_semaphore(%arg14 : memref<!tpu.dma_semaphore, #tpu.memory_space<semaphore_mem>>)
    %dma_start3A_4 = arith.constant 0 : i32
    %dma_start3A_5 = arith.constant 0 : i32
    %dma_start3A_6 = arith.constant 0 : i32
    %dma_start3A_7 = tpu.memref_slice %arg7[%dma_start3A_4, %dma_start3A_5, %dma_start3A_6] : memref<1x128x256xf32, #tpu.memory_space<vmem>> -> memref<1x128x256xf32, #tpu.memory_space<vmem>>
    %dma_start3A_8 = tpu.memref_squeeze %dma_start3A_7 : memref<1x128x256xf32, #tpu.memory_space<vmem>> -> memref<128x256xf32, #tpu.memory_space<vmem>>
    %dma_start3A_9 = arith.constant 896 : i32
    %dma_start3A_10 = tpu.memref_slice %arg2[%dma_start3A_9, %mul3A_2] : memref<1024x4096xf32, #tpu.memory_space<hbm>> -> memref<128x256xf32, #tpu.memory_space<hbm>>
    %dma_start3A_11 = arith.constant 0 : i32
    %dma_start3A_12 = arith.constant 0 : i32
    %dma_start3A_13 = tpu.memref_slice %arg7[%dma_start3A_4, %dma_start3A_11, %dma_start3A_12] : memref<1x128x256xf32, #tpu.memory_space<vmem>> -> memref<1x128x256xf32, #tpu.memory_space<vmem>>
    %dma_start3A_14 = tpu.memref_squeeze %dma_start3A_13 : memref<1x128x256xf32, #tpu.memory_space<vmem>> -> memref<128x256xf32, #tpu.memory_space<vmem>>
    %dma_start3A_15 = arith.constant 896 : i32
    %dma_start3A_16 = tpu.memref_slice %arg2[%dma_start3A_15, %mul3A_2] : memref<1024x4096xf32, #tpu.memory_space<hbm>> -> memref<128x256xf32, #tpu.memory_space<hbm>>
    tpu.enqueue_dma source(%dma_start3A_16 : memref<128x256xf32, #tpu.memory_space<hbm>>) target(%dma_start3A_14 : memref<128x256xf32, #tpu.memory_space<vmem>>) target_semaphore(%arg12 : memref<!tpu.dma_semaphore, #tpu.memory_space<semaphore_mem>>)
    %dma_start3A_17 = arith.constant 0 : i32
    %dma_start3A_18 = arith.constant 0 : i32
    %dma_start3A_19 = arith.constant 0 : i32
    %dma_start3A_20 = tpu.memref_slice %arg8[%dma_start3A_17, %dma_start3A_18, %dma_start3A_19] : memref<1x128x256xf32, #tpu.memory_space<vmem>> -> memref<1x128x256xf32, #tpu.memory_space<vmem>>
    %dma_start3A_21 = tpu.memref_squeeze %dma_start3A_20 : memref<1x128x256xf32, #tpu.memory_space<vmem>> -> memref<128x256xf32, #tpu.memory_space<vmem>>
    %dma_start3A_22 = arith.constant 896 : i32
    %dma_start3A_23 = tpu.memref_slice %arg3[%dma_start3A_22, %mul3A_2] : memref<1024x4096xf32, #tpu.memory_space<hbm>> -> memref<128x256xf32, #tpu.memory_space<hbm>>
    %dma_start3A_24 = arith.constant 0 : i32
    %dma_start3A_25 = arith.constant 0 : i32
    %dma_start3A_26 = tpu.memref_slice %arg8[%dma_start3A_17, %dma_start3A_24, %dma_start3A_25] : memref<1x128x256xf32, #tpu.memory_space<vmem>> -> memref<1x128x256xf32, #tpu.memory_space<vmem>>
    %dma_start3A_27 = tpu.memref_squeeze %dma_start3A_26 : memref<1x128x256xf32, #tpu.memory_space<vmem>> -> memref<128x256xf32, #tpu.memory_space<vmem>>
    %dma_start3A_28 = arith.constant 896 : i32
    %dma_start3A_29 = tpu.memref_slice %arg3[%dma_start3A_28, %mul3A_2] : memref<1024x4096xf32, #tpu.memory_space<hbm>> -> memref<128x256xf32, #tpu.memory_space<hbm>>
    tpu.enqueue_dma source(%dma_start3A_29 : memref<128x256xf32, #tpu.memory_space<hbm>>) target(%dma_start3A_27 : memref<128x256xf32, #tpu.memory_space<vmem>>) target_semaphore(%arg12 : memref<!tpu.dma_semaphore, #tpu.memory_space<semaphore_mem>>)
    %dma_start3A_30 = arith.constant 0 : i32
    %dma_start3A_31 = arith.constant 0 : i32
    %dma_start3A_32 = arith.constant 0 : i32
    %dma_start3A_33 = tpu.memref_slice %arg9[%dma_start3A_30, %dma_start3A_31, %dma_start3A_32] : memref<1x128x256xf32, #tpu.memory_space<vmem>> -> memref<1x128x256xf32, #tpu.memory_space<vmem>>
    %dma_start3A_34 = tpu.memref_squeeze %dma_start3A_33 : memref<1x128x256xf32, #tpu.memory_space<vmem>> -> memref<128x256xf32, #tpu.memory_space<vmem>>
    %dma_start3A_35 = arith.constant 896 : i32
    %dma_start3A_36 = tpu.memref_slice %arg4[%dma_start3A_35, %mul3A_2] : memref<1025x4096xf32, #tpu.memory_space<hbm>> -> memref<128x256xf32, #tpu.memory_space<hbm>>
    %dma_start3A_37 = arith.constant 0 : i32
    %dma_start3A_38 = arith.constant 0 : i32
    %dma_start3A_39 = tpu.memref_slice %arg9[%dma_start3A_30, %dma_start3A_37, %dma_start3A_38] : memref<1x128x256xf32, #tpu.memory_space<vmem>> -> memref<1x128x256xf32, #tpu.memory_space<vmem>>
    %dma_start3A_40 = tpu.memref_squeeze %dma_start3A_39 : memref<1x128x256xf32, #tpu.memory_space<vmem>> -> memref<128x256xf32, #tpu.memory_space<vmem>>
    %dma_start3A_41 = arith.constant 896 : i32
    %dma_start3A_42 = tpu.memref_slice %arg4[%dma_start3A_41, %mul3A_2] : memref<1025x4096xf32, #tpu.memory_space<hbm>> -> memref<128x256xf32, #tpu.memory_space<hbm>>
    tpu.enqueue_dma source(%dma_start3A_42 : memref<128x256xf32, #tpu.memory_space<hbm>>) target(%dma_start3A_40 : memref<128x256xf32, #tpu.memory_space<vmem>>) target_semaphore(%arg12 : memref<!tpu.dma_semaphore, #tpu.memory_space<semaphore_mem>>)
    %broadcast_in_dim3A = arith.constant 0.000000e+00 : f32
    %broadcast_in_dim3A_43 = vector.broadcast %broadcast_in_dim3A : f32 to vector<16xf32>
    %broadcast_in_dim3A_44 = arith.constant 0.000000e+00 : f32
    %broadcast_in_dim3A_45 = vector.broadcast %broadcast_in_dim3A_44 : f32 to vector<16xf32>
    %broadcast_in_dim3A_46 = arith.constant 0.000000e+00 : f32
    %broadcast_in_dim3A_47 = vector.broadcast %broadcast_in_dim3A_46 : f32 to vector<16xf32>
    %broadcast_in_dim3A_48 = arith.constant 0.000000e+00 : f32
    %broadcast_in_dim3A_49 = vector.broadcast %broadcast_in_dim3A_48 : f32 to vector<16xf32>
    %dma_wait3A = arith.constant 0 : i32
    %dma_wait3A_50 = arith.constant 0 : i32
    %dma_wait3A_51 = arith.constant 0 : i32
    %dma_wait3A_52 = tpu.memref_slice %arg7[%dma_wait3A, %dma_wait3A_50, %dma_wait3A_51] : memref<1x128x256xf32, #tpu.memory_space<vmem>> -> memref<1x128x256xf32, #tpu.memory_space<vmem>>
    %dma_wait3A_53 = tpu.memref_squeeze %dma_wait3A_52 : memref<1x128x256xf32, #tpu.memory_space<vmem>> -> memref<128x256xf32, #tpu.memory_space<vmem>>
    %dma_wait3A_54 = arith.constant 896 : i32
    %dma_wait3A_55 = tpu.memref_slice %arg2[%dma_wait3A_54, %mul3A_2] : memref<1024x4096xf32, #tpu.memory_space<hbm>> -> memref<128x256xf32, #tpu.memory_space<hbm>>
    %dma_wait3A_56 = arith.constant 0 : i32
    %dma_wait3A_57 = arith.constant 0 : i32
    %dma_wait3A_58 = tpu.memref_slice %arg7[%dma_wait3A, %dma_wait3A_56, %dma_wait3A_57] : memref<1x128x256xf32, #tpu.memory_space<vmem>> -> memref<1x128x256xf32, #tpu.memory_space<vmem>>
    %dma_wait3A_59 = tpu.memref_squeeze %dma_wait3A_58 : memref<1x128x256xf32, #tpu.memory_space<vmem>> -> memref<128x256xf32, #tpu.memory_space<vmem>>
    %dma_wait3A_60 = arith.constant 896 : i32
    %dma_wait3A_61 = tpu.memref_slice %arg2[%dma_wait3A_60, %mul3A_2] : memref<1024x4096xf32, #tpu.memory_space<hbm>> -> memref<128x256xf32, #tpu.memory_space<hbm>>
    tpu.wait_dma2 semaphore(%arg12 : memref<!tpu.dma_semaphore, #tpu.memory_space<semaphore_mem>>) src(%dma_wait3A_61 : memref<128x256xf32, #tpu.memory_space<hbm>>) dst(%dma_wait3A_59 : memref<128x256xf32, #tpu.memory_space<vmem>>)
    %dma_wait3A_62 = arith.constant 0 : i32
    %dma_wait3A_63 = arith.constant 0 : i32
    %dma_wait3A_64 = arith.constant 0 : i32
    %dma_wait3A_65 = tpu.memref_slice %arg8[%dma_wait3A_62, %dma_wait3A_63, %dma_wait3A_64] : memref<1x128x256xf32, #tpu.memory_space<vmem>> -> memref<1x128x256xf32, #tpu.memory_space<vmem>>
    %dma_wait3A_66 = tpu.memref_squeeze %dma_wait3A_65 : memref<1x128x256xf32, #tpu.memory_space<vmem>> -> memref<128x256xf32, #tpu.memory_space<vmem>>
    %dma_wait3A_67 = arith.constant 896 : i32
    %dma_wait3A_68 = tpu.memref_slice %arg3[%dma_wait3A_67, %mul3A_2] : memref<1024x4096xf32, #tpu.memory_space<hbm>> -> memref<128x256xf32, #tpu.memory_space<hbm>>
    %dma_wait3A_69 = arith.constant 0 : i32
    %dma_wait3A_70 = arith.constant 0 : i32
    %dma_wait3A_71 = tpu.memref_slice %arg8[%dma_wait3A_62, %dma_wait3A_69, %dma_wait3A_70] : memref<1x128x256xf32, #tpu.memory_space<vmem>> -> memref<1x128x256xf32, #tpu.memory_space<vmem>>
    %dma_wait3A_72 = tpu.memref_squeeze %dma_wait3A_71 : memref<1x128x256xf32, #tpu.memory_space<vmem>> -> memref<128x256xf32, #tpu.memory_space<vmem>>
    %dma_wait3A_73 = arith.constant 896 : i32
    %dma_wait3A_74 = tpu.memref_slice %arg3[%dma_wait3A_73, %mul3A_2] : memref<1024x4096xf32, #tpu.memory_space<hbm>> -> memref<128x256xf32, #tpu.memory_space<hbm>>
    tpu.wait_dma2 semaphore(%arg12 : memref<!tpu.dma_semaphore, #tpu.memory_space<semaphore_mem>>) src(%dma_wait3A_74 : memref<128x256xf32, #tpu.memory_space<hbm>>) dst(%dma_wait3A_72 : memref<128x256xf32, #tpu.memory_space<vmem>>)
    %dma_wait3A_75 = arith.constant 0 : i32
    %dma_wait3A_76 = arith.constant 0 : i32
    %dma_wait3A_77 = arith.constant 0 : i32
    %dma_wait3A_78 = tpu.memref_slice %arg9[%dma_wait3A_75, %dma_wait3A_76, %dma_wait3A_77] : memref<1x128x256xf32, #tpu.memory_space<vmem>> -> memref<1x128x256xf32, #tpu.memory_space<vmem>>
    %dma_wait3A_79 = tpu.memref_squeeze %dma_wait3A_78 : memref<1x128x256xf32, #tpu.memory_space<vmem>> -> memref<128x256xf32, #tpu.memory_space<vmem>>
    %dma_wait3A_80 = arith.constant 896 : i32
    %dma_wait3A_81 = tpu.memref_slice %arg4[%dma_wait3A_80, %mul3A_2] : memref<1025x4096xf32, #tpu.memory_space<hbm>> -> memref<128x256xf32, #tpu.memory_space<hbm>>
    %dma_wait3A_82 = arith.constant 0 : i32
    %dma_wait3A_83 = arith.constant 0 : i32
    %dma_wait3A_84 = tpu.memref_slice %arg9[%dma_wait3A_75, %dma_wait3A_82, %dma_wait3A_83] : memref<1x128x256xf32, #tpu.memory_space<vmem>> -> memref<1x128x256xf32, #tpu.memory_space<vmem>>
    %dma_wait3A_85 = tpu.memref_squeeze %dma_wait3A_84 : memref<1x128x256xf32, #tpu.memory_space<vmem>> -> memref<128x256xf32, #tpu.memory_space<vmem>>
    %dma_wait3A_86 = arith.constant 896 : i32
    %dma_wait3A_87 = tpu.memref_slice %arg4[%dma_wait3A_86, %mul3A_2] : memref<1025x4096xf32, #tpu.memory_space<hbm>> -> memref<128x256xf32, #tpu.memory_space<hbm>>
    tpu.wait_dma2 semaphore(%arg12 : memref<!tpu.dma_semaphore, #tpu.memory_space<semaphore_mem>>) src(%dma_wait3A_87 : memref<128x256xf32, #tpu.memory_space<hbm>>) dst(%dma_wait3A_85 : memref<128x256xf32, #tpu.memory_space<vmem>>)
    %get3A = arith.constant 0 : i32
    %get3A_88 = arith.constant 0 : i32
    %get3A_89 = arith.index_cast %get3A : i32 to index
    %get3A_90 = arith.index_cast %get3A_88 : i32 to index
    %get3A_91 = arith.constant 0 : index
    %get3A_92 = tpu.vector_load %arg9[%get3A_89, %get3A_90, %get3A_91] {strides = array<i32>} : memref<1x128x256xf32, #tpu.memory_space<vmem>>, vector<1x1x16xf32>,
    %get3A_93 = vector.shape_cast %get3A_92 : vector<1x1x16xf32> to vector<16xf32>
    %get3A_94 = arith.constant 0 : i32
    %get3A_95 = arith.constant 0 : i32
    %get3A_96 = arith.index_cast %get3A_94 : i32 to index
    %get3A_97 = arith.index_cast %get3A_95 : i32 to index
    %get3A_98 = arith.constant 16 : index
    %get3A_99 = tpu.vector_load %arg9[%get3A_96, %get3A_97, %get3A_98] {strides = array<i32>} : memref<1x128x256xf32, #tpu.memory_space<vmem>>, vector<1x1x16xf32>,
    %get3A_100 = vector.shape_cast %get3A_99 : vector<1x1x16xf32> to vector<16xf32>
    %get3A_101 = arith.constant 0 : i32
    %get3A_102 = arith.constant 0 : i32
    %get3A_103 = arith.index_cast %get3A_101 : i32 to index
    %get3A_104 = arith.index_cast %get3A_102 : i32 to index
    %get3A_105 = arith.constant 32 : index
    %get3A_106 = tpu.vector_load %arg9[%get3A_103, %get3A_104, %get3A_105] {strides = array<i32>} : memref<1x128x256xf32, #tpu.memory_space<vmem>>, vector<1x1x16xf32>,
    %get3A_107 = vector.shape_cast %get3A_106 : vector<1x1x16xf32> to vector<16xf32>
    %get3A_108 = arith.constant 0 : i32
    %get3A_109 = arith.constant 0 : i32
    %get3A_110 = arith.index_cast %get3A_108 : i32 to index
    %get3A_111 = arith.index_cast %get3A_109 : i32 to index
    %get3A_112 = arith.constant 48 : index
    %get3A_113 = tpu.vector_load %arg9[%get3A_110, %get3A_111, %get3A_112] {strides = array<i32>} : memref<1x128x256xf32, #tpu.memory_space<vmem>>, vector<1x1x16xf32>,
    %get3A_114 = vector.shape_cast %get3A_113 : vector<1x1x16xf32> to vector<16xf32>
    %get3A_115 = arith.constant 0 : i32
    %get3A_116 = arith.constant 0 : i32
    %get3A_117 = arith.index_cast %get3A_115 : i32 to index
    %get3A_118 = arith.index_cast %get3A_116 : i32 to index
    %get3A_119 = arith.constant 64 : index
    %get3A_120 = tpu.vector_load %arg9[%get3A_117, %get3A_118, %get3A_119] {strides = array<i32>} : memref<1x128x256xf32, #tpu.memory_space<vmem>>, vector<1x1x16xf32>,
    %get3A_121 = vector.shape_cast %get3A_120 : vector<1x1x16xf32> to vector<16xf32>
    %get3A_122 = arith.constant 0 : i32
    %get3A_123 = arith.constant 0 : i32
    %get3A_124 = arith.index_cast %get3A_122 : i32 to index
    %get3A_125 = arith.index_cast %get3A_123 : i32 to index
    %get3A_126 = arith.constant 80 : index
    %get3A_127 = tpu.vector_load %arg9[%get3A_124, %get3A_125, %get3A_126] {strides = array<i32>} : memref<1x128x256xf32, #tpu.memory_space<vmem>>, vector<1x1x16xf32>,
    %get3A_128 = vector.shape_cast %get3A_127 : vector<1x1x16xf32> to vector<16xf32>
    %get3A_129 = arith.constant 0 : i32
    %get3A_130 = arith.constant 0 : i32
    %get3A_131 = arith.index_cast %get3A_129 : i32 to index
    %get3A_132 = arith.index_cast %get3A_130 : i32 to index
    %get3A_133 = arith.constant 96 : index
    %get3A_134 = tpu.vector_load %arg9[%get3A_131, %get3A_132, %get3A_133] {strides = array<i32>} : memref<1x128x256xf32, #tpu.memory_space<vmem>>, vector<1x1x16xf32>,
    %get3A_135 = vector.shape_cast %get3A_134 : vector<1x1x16xf32> to vector<16xf32>
    %get3A_136 = arith.constant 0 : i32
    %get3A_137 = arith.constant 0 : i32
    %get3A_138 = arith.index_cast %get3A_136 : i32 to index
    %get3A_139 = arith.index_cast %get3A_137 : i32 to index
    %get3A_140 = arith.constant 112 : index
    %get3A_141 = tpu.vector_load %arg9[%get3A_138, %get3A_139, %get3A_140] {strides = array<i32>} : memref<1x128x256xf32, #tpu.memory_space<vmem>>, vector<1x1x16xf32>,
    %get3A_142 = vector.shape_cast %get3A_141 : vector<1x1x16xf32> to vector<16xf32>
    %get3A_143 = arith.constant 0 : i32
    %get3A_144 = arith.constant 0 : i32
    %get3A_145 = arith.index_cast %get3A_143 : i32 to index
    %get3A_146 = arith.index_cast %get3A_144 : i32 to index
    %get3A_147 = arith.constant 128 : index
    %get3A_148 = tpu.vector_load %arg9[%get3A_145, %get3A_146, %get3A_147] {strides = array<i32>} : memref<1x128x256xf32, #tpu.memory_space<vmem>>, vector<1x1x16xf32>,
    %get3A_149 = vector.shape_cast %get3A_148 : vector<1x1x16xf32> to vector<16xf32>
    %get3A_150 = arith.constant 0 : i32
    %get3A_151 = arith.constant 0 : i32
    %get3A_152 = arith.index_cast %get3A_150 : i32 to index
    %get3A_153 = arith.index_cast %get3A_151 : i32 to index
    %get3A_154 = arith.constant 144 : index
    %get3A_155 = tpu.vector_load %arg9[%get3A_152, %get3A_153, %get3A_154] {strides = array<i32>} : memref<1x128x256xf32, #tpu.memory_space<vmem>>, vector<1x1x16xf32>,
    %get3A_156 = vector.shape_cast %get3A_155 : vector<1x1x16xf32> to vector<16xf32>
    %get3A_157 = arith.constant 0 : i32
    %get3A_158 = arith.constant 0 : i32
    %get3A_159 = arith.index_cast %get3A_157 : i32 to index
    %get3A_160 = arith.index_cast %get3A_158 : i32 to index
    %get3A_161 = arith.constant 160 : index
    %get3A_162 = tpu.vector_load %arg9[%get3A_159, %get3A_160, %get3A_161] {strides = array<i32>} : memref<1x128x256xf32, #tpu.memory_space<vmem>>, vector<1x1x16xf32>,
    %get3A_163 = vector.shape_cast %get3A_162 : vector<1x1x16xf32> to vector<16xf32>
    %get3A_164 = arith.constant 0 : i32
    %get3A_165 = arith.constant 0 : i32
    %get3A_166 = arith.index_cast %get3A_164 : i32 to index
    %get3A_167 = arith.index_cast %get3A_165 : i32 to index
    %get3A_168 = arith.constant 176 : index
    %get3A_169 = tpu.vector_load %arg9[%get3A_166, %get3A_167, %get3A_168] {strides = array<i32>} : memref<1x128x256xf32, #tpu.memory_space<vmem>>, vector<1x1x16xf32>,
    %get3A_170 = vector.shape_cast %get3A_169 : vector<1x1x16xf32> to vector<16xf32>
    %get3A_171 = arith.constant 0 : i32
    %get3A_172 = arith.constant 0 : i32
    %get3A_173 = arith.index_cast %get3A_171 : i32 to index
    %get3A_174 = arith.index_cast %get3A_172 : i32 to index
    %get3A_175 = arith.constant 192 : index
    %get3A_176 = tpu.vector_load %arg9[%get3A_173, %get3A_174, %get3A_175] {strides = array<i32>} : memref<1x128x256xf32, #tpu.memory_space<vmem>>, vector<1x1x16xf32>,
    %get3A_177 = vector.shape_cast %get3A_176 : vector<1x1x16xf32> to vector<16xf32>
    %get3A_178 = arith.constant 0 : i32
    %get3A_179 = arith.constant 0 : i32
    %get3A_180 = arith.index_cast %get3A_178 : i32 to index
    %get3A_181 = arith.index_cast %get3A_179 : i32 to index
    %get3A_182 = arith.constant 208 : index
    %get3A_183 = tpu.vector_load %arg9[%get3A_180, %get3A_181, %get3A_182] {strides = array<i32>} : memref<1x128x256xf32, #tpu.memory_space<vmem>>, vector<1x1x16xf32>,
    %get3A_184 = vector.shape_cast %get3A_183 : vector<1x1x16xf32> to vector<16xf32>
    %get3A_185 = arith.constant 0 : i32
    %get3A_186 = arith.constant 0 : i32
    %get3A_187 = arith.index_cast %get3A_185 : i32 to index
    %get3A_188 = arith.index_cast %get3A_186 : i32 to index
    %get3A_189 = arith.constant 224 : index
    %get3A_190 = tpu.vector_load %arg9[%get3A_187, %get3A_188, %get3A_189] {strides = array<i32>} : memref<1x128x256xf32, #tpu.memory_space<vmem>>, vector<1x1x16xf32>,
    %get3A_191 = vector.shape_cast %get3A_190 : vector<1x1x16xf32> to vector<16xf32>
    %get3A_192 = arith.constant 0 : i32
    %get3A_193 = arith.constant 0 : i32
    %get3A_194 = arith.index_cast %get3A_192 : i32 to index
    %get3A_195 = arith.index_cast %get3A_193 : i32 to index
    %get3A_196 = arith.constant 240 : index
    %get3A_197 = tpu.vector_load %arg9[%get3A_194, %get3A_195, %get3A_196] {strides = array<i32>} : memref<1x128x256xf32, #tpu.memory_space<vmem>>, vector<1x1x16xf32>,
    %get3A_198 = vector.shape_cast %get3A_197 : vector<1x1x16xf32> to vector<16xf32>
    %scan3A = arith.constant 0 : i32
    %scan3A_199 = arith.constant 127 : i32
    %scan3A_200 = arith.addi %scan3A, %scan3A_199 : i32
    %scan3A_201 = arith.constant 1 : i32
    %scan3A_202:20 = scf.for %scan3A_565 = %scan3A to %scan3A_200 step %scan3A_201 iter_args(%scan3A_566 = %broadcast_in_dim3A_43, %scan3A_567 = %broadcast_in_dim3A_45, %scan3A_568 = %broadcast_in_dim3A_47, %scan3A_569 = %broadcast_in_dim3A_49, %scan3A_570 = %get3A_93, %scan3A_571 = %get3A_100, %scan3A_572 = %get3A_107, %scan3A_573 = %get3A_114, %scan3A_574 = %get3A_121, %scan3A_575 = %get3A_128, %scan3A_576 = %get3A_135, %scan3A_577 = %get3A_142, %scan3A_578 = %get3A_149, %scan3A_579 = %get3A_156, %scan3A_580 = %get3A_163, %scan3A_581 = %get3A_170, %scan3A_582 = %get3A_177, %scan3A_583 = %get3A_184, %scan3A_584 = %get3A_191, %scan3A_585 = %get3A_198) -> (vector<16xf32>, vector<16xf32>, vector<16xf32>, vector<16xf32>, vector<16xf32>, vector<16xf32>, vector<16xf32>, vector<16xf32>, vector<16xf32>, vector<16xf32>, vector<16xf32>, vector<16xf32>, vector<16xf32>, vector<16xf32>, vector<16xf32>, vector<16xf32>, vector<16xf32>, vector<16xf32>, vector<16xf32>, vector<16xf32>)  : i32 {
      %get3A_586 = arith.constant 0 : i32
      %get3A_587 = arith.index_cast %get3A_586 : i32 to index
      %get3A_588 = arith.index_cast %scan3A_565 : i32 to index
      %get3A_589 = arith.constant 0 : index
      %get3A_590 = tpu.vector_load %arg7[%get3A_587, %get3A_588, %get3A_589] {strides = array<i32>} : memref<1x128x256xf32, #tpu.memory_space<vmem>>, vector<1x1x16xf32>,
      %get3A_591 = vector.shape_cast %get3A_590 : vector<1x1x16xf32> to vector<16xf32>
      %get3A_592 = arith.constant 0 : i32
      %get3A_593 = arith.index_cast %get3A_592 : i32 to index
      %get3A_594 = arith.index_cast %scan3A_565 : i32 to index
      %get3A_595 = arith.constant 16 : index
      %get3A_596 = tpu.vector_load %arg7[%get3A_593, %get3A_594, %get3A_595] {strides = array<i32>} : memref<1x128x256xf32, #tpu.memory_space<vmem>>, vector<1x1x16xf32>,
      %get3A_597 = vector.shape_cast %get3A_596 : vector<1x1x16xf32> to vector<16xf32>
      %get3A_598 = arith.constant 0 : i32
      %get3A_599 = arith.index_cast %get3A_598 : i32 to index
      %get3A_600 = arith.index_cast %scan3A_565 : i32 to index
      %get3A_601 = arith.constant 32 : index
      %get3A_602 = tpu.vector_load %arg7[%get3A_599, %get3A_600, %get3A_601] {strides = array<i32>} : memref<1x128x256xf32, #tpu.memory_space<vmem>>, vector<1x1x16xf32>,
      %get3A_603 = vector.shape_cast %get3A_602 : vector<1x1x16xf32> to vector<16xf32>
      %get3A_604 = arith.constant 0 : i32
      %get3A_605 = arith.index_cast %get3A_604 : i32 to index
      %get3A_606 = arith.index_cast %scan3A_565 : i32 to index
      %get3A_607 = arith.constant 48 : index
      %get3A_608 = tpu.vector_load %arg7[%get3A_605, %get3A_606, %get3A_607] {strides = array<i32>} : memref<1x128x256xf32, #tpu.memory_space<vmem>>, vector<1x1x16xf32>,
      %get3A_609 = vector.shape_cast %get3A_608 : vector<1x1x16xf32> to vector<16xf32>
      %get3A_610 = arith.constant 0 : i32
      %get3A_611 = arith.index_cast %get3A_610 : i32 to index
      %get3A_612 = arith.index_cast %scan3A_565 : i32 to index
      %get3A_613 = arith.constant 64 : index
      %get3A_614 = tpu.vector_load %arg7[%get3A_611, %get3A_612, %get3A_613] {strides = array<i32>} : memref<1x128x256xf32, #tpu.memory_space<vmem>>, vector<1x1x16xf32>,
      %get3A_615 = vector.shape_cast %get3A_614 : vector<1x1x16xf32> to vector<16xf32>
      %get3A_616 = arith.constant 0 : i32
      %get3A_617 = arith.index_cast %get3A_616 : i32 to index
      %get3A_618 = arith.index_cast %scan3A_565 : i32 to index
      %get3A_619 = arith.constant 80 : index
      %get3A_620 = tpu.vector_load %arg7[%get3A_617, %get3A_618, %get3A_619] {strides = array<i32>} : memref<1x128x256xf32, #tpu.memory_space<vmem>>, vector<1x1x16xf32>,
      %get3A_621 = vector.shape_cast %get3A_620 : vector<1x1x16xf32> to vector<16xf32>
      %get3A_622 = arith.constant 0 : i32
      %get3A_623 = arith.index_cast %get3A_622 : i32 to index
      %get3A_624 = arith.index_cast %scan3A_565 : i32 to index
      %get3A_625 = arith.constant 96 : index
      %get3A_626 = tpu.vector_load %arg7[%get3A_623, %get3A_624, %get3A_625] {strides = array<i32>} : memref<1x128x256xf32, #tpu.memory_space<vmem>>, vector<1x1x16xf32>,
      %get3A_627 = vector.shape_cast %get3A_626 : vector<1x1x16xf32> to vector<16xf32>
      %get3A_628 = arith.constant 0 : i32
      %get3A_629 = arith.index_cast %get3A_628 : i32 to index
      %get3A_630 = arith.index_cast %scan3A_565 : i32 to index
      %get3A_631 = arith.constant 112 : index
      %get3A_632 = tpu.vector_load %arg7[%get3A_629, %get3A_630, %get3A_631] {strides = array<i32>} : memref<1x128x256xf32, #tpu.memory_space<vmem>>, vector<1x1x16xf32>,
      %get3A_633 = vector.shape_cast %get3A_632 : vector<1x1x16xf32> to vector<16xf32>
      %get3A_634 = arith.constant 0 : i32
      %get3A_635 = arith.index_cast %get3A_634 : i32 to index
      %get3A_636 = arith.index_cast %scan3A_565 : i32 to index
      %get3A_637 = arith.constant 128 : index
      %get3A_638 = tpu.vector_load %arg7[%get3A_635, %get3A_636, %get3A_637] {strides = array<i32>} : memref<1x128x256xf32, #tpu.memory_space<vmem>>, vector<1x1x16xf32>,
      %get3A_639 = vector.shape_cast %get3A_638 : vector<1x1x16xf32> to vector<16xf32>
      %get3A_640 = arith.constant 0 : i32
      %get3A_641 = arith.index_cast %get3A_640 : i32 to index
      %get3A_642 = arith.index_cast %scan3A_565 : i32 to index
      %get3A_643 = arith.constant 144 : index
      %get3A_644 = tpu.vector_load %arg7[%get3A_641, %get3A_642, %get3A_643] {strides = array<i32>} : memref<1x128x256xf32, #tpu.memory_space<vmem>>, vector<1x1x16xf32>,
      %get3A_645 = vector.shape_cast %get3A_644 : vector<1x1x16xf32> to vector<16xf32>
      %get3A_646 = arith.constant 0 : i32
      %get3A_647 = arith.index_cast %get3A_646 : i32 to index
      %get3A_648 = arith.index_cast %scan3A_565 : i32 to index
      %get3A_649 = arith.constant 160 : index
      %get3A_650 = tpu.vector_load %arg7[%get3A_647, %get3A_648, %get3A_649] {strides = array<i32>} : memref<1x128x256xf32, #tpu.memory_space<vmem>>, vector<1x1x16xf32>,
      %get3A_651 = vector.shape_cast %get3A_650 : vector<1x1x16xf32> to vector<16xf32>
      %get3A_652 = arith.constant 0 : i32
      %get3A_653 = arith.index_cast %get3A_652 : i32 to index
      %get3A_654 = arith.index_cast %scan3A_565 : i32 to index
      %get3A_655 = arith.constant 176 : index
      %get3A_656 = tpu.vector_load %arg7[%get3A_653, %get3A_654, %get3A_655] {strides = array<i32>} : memref<1x128x256xf32, #tpu.memory_space<vmem>>, vector<1x1x16xf32>,
      %get3A_657 = vector.shape_cast %get3A_656 : vector<1x1x16xf32> to vector<16xf32>
      %get3A_658 = arith.constant 0 : i32
      %get3A_659 = arith.index_cast %get3A_658 : i32 to index
      %get3A_660 = arith.index_cast %scan3A_565 : i32 to index
      %get3A_661 = arith.constant 192 : index
      %get3A_662 = tpu.vector_load %arg7[%get3A_659, %get3A_660, %get3A_661] {strides = array<i32>} : memref<1x128x256xf32, #tpu.memory_space<vmem>>, vector<1x1x16xf32>,
      %get3A_663 = vector.shape_cast %get3A_662 : vector<1x1x16xf32> to vector<16xf32>
      %get3A_664 = arith.constant 0 : i32
      %get3A_665 = arith.index_cast %get3A_664 : i32 to index
      %get3A_666 = arith.index_cast %scan3A_565 : i32 to index
      %get3A_667 = arith.constant 208 : index
      %get3A_668 = tpu.vector_load %arg7[%get3A_665, %get3A_666, %get3A_667] {strides = array<i32>} : memref<1x128x256xf32, #tpu.memory_space<vmem>>, vector<1x1x16xf32>,
      %get3A_669 = vector.shape_cast %get3A_668 : vector<1x1x16xf32> to vector<16xf32>
      %get3A_670 = arith.constant 0 : i32
      %get3A_671 = arith.index_cast %get3A_670 : i32 to index
      %get3A_672 = arith.index_cast %scan3A_565 : i32 to index
      %get3A_673 = arith.constant 224 : index
      %get3A_674 = tpu.vector_load %arg7[%get3A_671, %get3A_672, %get3A_673] {strides = array<i32>} : memref<1x128x256xf32, #tpu.memory_space<vmem>>, vector<1x1x16xf32>,
      %get3A_675 = vector.shape_cast %get3A_674 : vector<1x1x16xf32> to vector<16xf32>
      %get3A_676 = arith.constant 0 : i32
      %get3A_677 = arith.index_cast %get3A_676 : i32 to index
      %get3A_678 = arith.index_cast %scan3A_565 : i32 to index
      %get3A_679 = arith.constant 240 : index
      %get3A_680 = tpu.vector_load %arg7[%get3A_677, %get3A_678, %get3A_679] {strides = array<i32>} : memref<1x128x256xf32, #tpu.memory_space<vmem>>, vector<1x1x16xf32>,
      %get3A_681 = vector.shape_cast %get3A_680 : vector<1x1x16xf32> to vector<16xf32>
      %get3A_682 = arith.constant 0 : i32
      %get3A_683 = arith.index_cast %get3A_682 : i32 to index
      %get3A_684 = arith.index_cast %scan3A_565 : i32 to index
      %get3A_685 = arith.constant 0 : index
      %get3A_686 = tpu.vector_load %arg8[%get3A_683, %get3A_684, %get3A_685] {strides = array<i32>} : memref<1x128x256xf32, #tpu.memory_space<vmem>>, vector<1x1x16xf32>,
      %get3A_687 = vector.shape_cast %get3A_686 : vector<1x1x16xf32> to vector<16xf32>
      %get3A_688 = arith.constant 0 : i32
      %get3A_689 = arith.index_cast %get3A_688 : i32 to index
      %get3A_690 = arith.index_cast %scan3A_565 : i32 to index
      %get3A_691 = arith.constant 16 : index
      %get3A_692 = tpu.vector_load %arg8[%get3A_689, %get3A_690, %get3A_691] {strides = array<i32>} : memref<1x128x256xf32, #tpu.memory_space<vmem>>, vector<1x1x16xf32>,
      %get3A_693 = vector.shape_cast %get3A_692 : vector<1x1x16xf32> to vector<16xf32>
      %get3A_694 = arith.constant 0 : i32
      %get3A_695 = arith.index_cast %get3A_694 : i32 to index
      %get3A_696 = arith.index_cast %scan3A_565 : i32 to index
      %get3A_697 = arith.constant 32 : index
      %get3A_698 = tpu.vector_load %arg8[%get3A_695, %get3A_696, %get3A_697] {strides = array<i32>} : memref<1x128x256xf32, #tpu.memory_space<vmem>>, vector<1x1x16xf32>,
      %get3A_699 = vector.shape_cast %get3A_698 : vector<1x1x16xf32> to vector<16xf32>
      %get3A_700 = arith.constant 0 : i32
      %get3A_701 = arith.index_cast %get3A_700 : i32 to index
      %get3A_702 = arith.index_cast %scan3A_565 : i32 to index
      %get3A_703 = arith.constant 48 : index
      %get3A_704 = tpu.vector_load %arg8[%get3A_701, %get3A_702, %get3A_703] {strides = array<i32>} : memref<1x128x256xf32, #tpu.memory_space<vmem>>, vector<1x1x16xf32>,
      %get3A_705 = vector.shape_cast %get3A_704 : vector<1x1x16xf32> to vector<16xf32>
      %get3A_706 = arith.constant 0 : i32
      %get3A_707 = arith.index_cast %get3A_706 : i32 to index
      %get3A_708 = arith.index_cast %scan3A_565 : i32 to index
      %get3A_709 = arith.constant 64 : index
      %get3A_710 = tpu.vector_load %arg8[%get3A_707, %get3A_708, %get3A_709] {strides = array<i32>} : memref<1x128x256xf32, #tpu.memory_space<vmem>>, vector<1x1x16xf32>,
      %get3A_711 = vector.shape_cast %get3A_710 : vector<1x1x16xf32> to vector<16xf32>
      %get3A_712 = arith.constant 0 : i32
      %get3A_713 = arith.index_cast %get3A_712 : i32 to index
      %get3A_714 = arith.index_cast %scan3A_565 : i32 to index
      %get3A_715 = arith.constant 80 : index
      %get3A_716 = tpu.vector_load %arg8[%get3A_713, %get3A_714, %get3A_715] {strides = array<i32>} : memref<1x128x256xf32, #tpu.memory_space<vmem>>, vector<1x1x16xf32>,
      %get3A_717 = vector.shape_cast %get3A_716 : vector<1x1x16xf32> to vector<16xf32>
      %get3A_718 = arith.constant 0 : i32
      %get3A_719 = arith.index_cast %get3A_718 : i32 to index
      %get3A_720 = arith.index_cast %scan3A_565 : i32 to index
      %get3A_721 = arith.constant 96 : index
      %get3A_722 = tpu.vector_load %arg8[%get3A_719, %get3A_720, %get3A_721] {strides = array<i32>} : memref<1x128x256xf32, #tpu.memory_space<vmem>>, vector<1x1x16xf32>,
      %get3A_723 = vector.shape_cast %get3A_722 : vector<1x1x16xf32> to vector<16xf32>
      %get3A_724 = arith.constant 0 : i32
      %get3A_725 = arith.index_cast %get3A_724 : i32 to index
      %get3A_726 = arith.index_cast %scan3A_565 : i32 to index
      %get3A_727 = arith.constant 112 : index
      %get3A_728 = tpu.vector_load %arg8[%get3A_725, %get3A_726, %get3A_727] {strides = array<i32>} : memref<1x128x256xf32, #tpu.memory_space<vmem>>, vector<1x1x16xf32>,
      %get3A_729 = vector.shape_cast %get3A_728 : vector<1x1x16xf32> to vector<16xf32>
      %get3A_730 = arith.constant 0 : i32
      %get3A_731 = arith.index_cast %get3A_730 : i32 to index
      %get3A_732 = arith.index_cast %scan3A_565 : i32 to index
      %get3A_733 = arith.constant 128 : index
      %get3A_734 = tpu.vector_load %arg8[%get3A_731, %get3A_732, %get3A_733] {strides = array<i32>} : memref<1x128x256xf32, #tpu.memory_space<vmem>>, vector<1x1x16xf32>,
      %get3A_735 = vector.shape_cast %get3A_734 : vector<1x1x16xf32> to vector<16xf32>
      %get3A_736 = arith.constant 0 : i32
      %get3A_737 = arith.index_cast %get3A_736 : i32 to index
      %get3A_738 = arith.index_cast %scan3A_565 : i32 to index
      %get3A_739 = arith.constant 144 : index
      %get3A_740 = tpu.vector_load %arg8[%get3A_737, %get3A_738, %get3A_739] {strides = array<i32>} : memref<1x128x256xf32, #tpu.memory_space<vmem>>, vector<1x1x16xf32>,
      %get3A_741 = vector.shape_cast %get3A_740 : vector<1x1x16xf32> to vector<16xf32>
      %get3A_742 = arith.constant 0 : i32
      %get3A_743 = arith.index_cast %get3A_742 : i32 to index
      %get3A_744 = arith.index_cast %scan3A_565 : i32 to index
      %get3A_745 = arith.constant 160 : index
      %get3A_746 = tpu.vector_load %arg8[%get3A_743, %get3A_744, %get3A_745] {strides = array<i32>} : memref<1x128x256xf32, #tpu.memory_space<vmem>>, vector<1x1x16xf32>,
      %get3A_747 = vector.shape_cast %get3A_746 : vector<1x1x16xf32> to vector<16xf32>
      %get3A_748 = arith.constant 0 : i32
      %get3A_749 = arith.index_cast %get3A_748 : i32 to index
      %get3A_750 = arith.index_cast %scan3A_565 : i32 to index
      %get3A_751 = arith.constant 176 : index
      %get3A_752 = tpu.vector_load %arg8[%get3A_749, %get3A_750, %get3A_751] {strides = array<i32>} : memref<1x128x256xf32, #tpu.memory_space<vmem>>, vector<1x1x16xf32>,
      %get3A_753 = vector.shape_cast %get3A_752 : vector<1x1x16xf32> to vector<16xf32>
      %get3A_754 = arith.constant 0 : i32
      %get3A_755 = arith.index_cast %get3A_754 : i32 to index
      %get3A_756 = arith.index_cast %scan3A_565 : i32 to index
      %get3A_757 = arith.constant 192 : index
      %get3A_758 = tpu.vector_load %arg8[%get3A_755, %get3A_756, %get3A_757] {strides = array<i32>} : memref<1x128x256xf32, #tpu.memory_space<vmem>>, vector<1x1x16xf32>,
      %get3A_759 = vector.shape_cast %get3A_758 : vector<1x1x16xf32> to vector<16xf32>
      %get3A_760 = arith.constant 0 : i32
      %get3A_761 = arith.index_cast %get3A_760 : i32 to index
      %get3A_762 = arith.index_cast %scan3A_565 : i32 to index
      %get3A_763 = arith.constant 208 : index
      %get3A_764 = tpu.vector_load %arg8[%get3A_761, %get3A_762, %get3A_763] {strides = array<i32>} : memref<1x128x256xf32, #tpu.memory_space<vmem>>, vector<1x1x16xf32>,
      %get3A_765 = vector.shape_cast %get3A_764 : vector<1x1x16xf32> to vector<16xf32>
      %get3A_766 = arith.constant 0 : i32
      %get3A_767 = arith.index_cast %get3A_766 : i32 to index
      %get3A_768 = arith.index_cast %scan3A_565 : i32 to index
      %get3A_769 = arith.constant 224 : index
      %get3A_770 = tpu.vector_load %arg8[%get3A_767, %get3A_768, %get3A_769] {strides = array<i32>} : memref<1x128x256xf32, #tpu.memory_space<vmem>>, vector<1x1x16xf32>,
      %get3A_771 = vector.shape_cast %get3A_770 : vector<1x1x16xf32> to vector<16xf32>
      %get3A_772 = arith.constant 0 : i32
      %get3A_773 = arith.index_cast %get3A_772 : i32 to index
      %get3A_774 = arith.index_cast %scan3A_565 : i32 to index
      %get3A_775 = arith.constant 240 : index
      %get3A_776 = tpu.vector_load %arg8[%get3A_773, %get3A_774, %get3A_775] {strides = array<i32>} : memref<1x128x256xf32, #tpu.memory_space<vmem>>, vector<1x1x16xf32>,
      %get3A_777 = vector.shape_cast %get3A_776 : vector<1x1x16xf32> to vector<16xf32>
      %add3A_778 = arith.constant 1 : i32
      %add3A_779 = arith.addi %scan3A_565, %add3A_778 : i32
      %get3A_780 = arith.constant 0 : i32
      %get3A_781 = arith.index_cast %get3A_780 : i32 to index
      %get3A_782 = arith.index_cast %add3A_779 : i32 to index
      %get3A_783 = arith.constant 0 : index
      %get3A_784 = tpu.vector_load %arg9[%get3A_781, %get3A_782, %get3A_783] {strides = array<i32>} : memref<1x128x256xf32, #tpu.memory_space<vmem>>, vector<1x1x16xf32>,
      %get3A_785 = vector.shape_cast %get3A_784 : vector<1x1x16xf32> to vector<16xf32>
      %get3A_786 = arith.constant 0 : i32
      %get3A_787 = arith.index_cast %get3A_786 : i32 to index
      %get3A_788 = arith.index_cast %add3A_779 : i32 to index
      %get3A_789 = arith.constant 16 : index
      %get3A_790 = tpu.vector_load %arg9[%get3A_787, %get3A_788, %get3A_789] {strides = array<i32>} : memref<1x128x256xf32, #tpu.memory_space<vmem>>, vector<1x1x16xf32>,
      %get3A_791 = vector.shape_cast %get3A_790 : vector<1x1x16xf32> to vector<16xf32>
      %get3A_792 = arith.constant 0 : i32
      %get3A_793 = arith.index_cast %get3A_792 : i32 to index
      %get3A_794 = arith.index_cast %add3A_779 : i32 to index
      %get3A_795 = arith.constant 32 : index
      %get3A_796 = tpu.vector_load %arg9[%get3A_793, %get3A_794, %get3A_795] {strides = array<i32>} : memref<1x128x256xf32, #tpu.memory_space<vmem>>, vector<1x1x16xf32>,
      %get3A_797 = vector.shape_cast %get3A_796 : vector<1x1x16xf32> to vector<16xf32>
      %get3A_798 = arith.constant 0 : i32
      %get3A_799 = arith.index_cast %get3A_798 : i32 to index
      %get3A_800 = arith.index_cast %add3A_779 : i32 to index
      %get3A_801 = arith.constant 48 : index
      %get3A_802 = tpu.vector_load %arg9[%get3A_799, %get3A_800, %get3A_801] {strides = array<i32>} : memref<1x128x256xf32, #tpu.memory_space<vmem>>, vector<1x1x16xf32>,
      %get3A_803 = vector.shape_cast %get3A_802 : vector<1x1x16xf32> to vector<16xf32>
      %get3A_804 = arith.constant 0 : i32
      %get3A_805 = arith.index_cast %get3A_804 : i32 to index
      %get3A_806 = arith.index_cast %add3A_779 : i32 to index
      %get3A_807 = arith.constant 64 : index
      %get3A_808 = tpu.vector_load %arg9[%get3A_805, %get3A_806, %get3A_807] {strides = array<i32>} : memref<1x128x256xf32, #tpu.memory_space<vmem>>, vector<1x1x16xf32>,
      %get3A_809 = vector.shape_cast %get3A_808 : vector<1x1x16xf32> to vector<16xf32>
      %get3A_810 = arith.constant 0 : i32
      %get3A_811 = arith.index_cast %get3A_810 : i32 to index
      %get3A_812 = arith.index_cast %add3A_779 : i32 to index
      %get3A_813 = arith.constant 80 : index
      %get3A_814 = tpu.vector_load %arg9[%get3A_811, %get3A_812, %get3A_813] {strides = array<i32>} : memref<1x128x256xf32, #tpu.memory_space<vmem>>, vector<1x1x16xf32>,
      %get3A_815 = vector.shape_cast %get3A_814 : vector<1x1x16xf32> to vector<16xf32>
      %get3A_816 = arith.constant 0 : i32
      %get3A_817 = arith.index_cast %get3A_816 : i32 to index
      %get3A_818 = arith.index_cast %add3A_779 : i32 to index
      %get3A_819 = arith.constant 96 : index
      %get3A_820 = tpu.vector_load %arg9[%get3A_817, %get3A_818, %get3A_819] {strides = array<i32>} : memref<1x128x256xf32, #tpu.memory_space<vmem>>, vector<1x1x16xf32>,
      %get3A_821 = vector.shape_cast %get3A_820 : vector<1x1x16xf32> to vector<16xf32>
      %get3A_822 = arith.constant 0 : i32
      %get3A_823 = arith.index_cast %get3A_822 : i32 to index
      %get3A_824 = arith.index_cast %add3A_779 : i32 to index
      %get3A_825 = arith.constant 112 : index
      %get3A_826 = tpu.vector_load %arg9[%get3A_823, %get3A_824, %get3A_825] {strides = array<i32>} : memref<1x128x256xf32, #tpu.memory_space<vmem>>, vector<1x1x16xf32>,
      %get3A_827 = vector.shape_cast %get3A_826 : vector<1x1x16xf32> to vector<16xf32>
      %get3A_828 = arith.constant 0 : i32
      %get3A_829 = arith.index_cast %get3A_828 : i32 to index
      %get3A_830 = arith.index_cast %add3A_779 : i32 to index
      %get3A_831 = arith.constant 128 : index
      %get3A_832 = tpu.vector_load %arg9[%get3A_829, %get3A_830, %get3A_831] {strides = array<i32>} : memref<1x128x256xf32, #tpu.memory_space<vmem>>, vector<1x1x16xf32>,
      %get3A_833 = vector.shape_cast %get3A_832 : vector<1x1x16xf32> to vector<16xf32>
      %get3A_834 = arith.constant 0 : i32
      %get3A_835 = arith.index_cast %get3A_834 : i32 to index
      %get3A_836 = arith.index_cast %add3A_779 : i32 to index
      %get3A_837 = arith.constant 144 : index
      %get3A_838 = tpu.vector_load %arg9[%get3A_835, %get3A_836, %get3A_837] {strides = array<i32>} : memref<1x128x256xf32, #tpu.memory_space<vmem>>, vector<1x1x16xf32>,
      %get3A_839 = vector.shape_cast %get3A_838 : vector<1x1x16xf32> to vector<16xf32>
      %get3A_840 = arith.constant 0 : i32
      %get3A_841 = arith.index_cast %get3A_840 : i32 to index
      %get3A_842 = arith.index_cast %add3A_779 : i32 to index
      %get3A_843 = arith.constant 160 : index
      %get3A_844 = tpu.vector_load %arg9[%get3A_841, %get3A_842, %get3A_843] {strides = array<i32>} : memref<1x128x256xf32, #tpu.memory_space<vmem>>, vector<1x1x16xf32>,
      %get3A_845 = vector.shape_cast %get3A_844 : vector<1x1x16xf32> to vector<16xf32>
      %get3A_846 = arith.constant 0 : i32
      %get3A_847 = arith.index_cast %get3A_846 : i32 to index
      %get3A_848 = arith.index_cast %add3A_779 : i32 to index
      %get3A_849 = arith.constant 176 : index
      %get3A_850 = tpu.vector_load %arg9[%get3A_847, %get3A_848, %get3A_849] {strides = array<i32>} : memref<1x128x256xf32, #tpu.memory_space<vmem>>, vector<1x1x16xf32>,
      %get3A_851 = vector.shape_cast %get3A_850 : vector<1x1x16xf32> to vector<16xf32>
      %get3A_852 = arith.constant 0 : i32
      %get3A_853 = arith.index_cast %get3A_852 : i32 to index
      %get3A_854 = arith.index_cast %add3A_779 : i32 to index
      %get3A_855 = arith.constant 192 : index
      %get3A_856 = tpu.vector_load %arg9[%get3A_853, %get3A_854, %get3A_855] {strides = array<i32>} : memref<1x128x256xf32, #tpu.memory_space<vmem>>, vector<1x1x16xf32>,
      %get3A_857 = vector.shape_cast %get3A_856 : vector<1x1x16xf32> to vector<16xf32>
      %get3A_858 = arith.constant 0 : i32
      %get3A_859 = arith.index_cast %get3A_858 : i32 to index
      %get3A_860 = arith.index_cast %add3A_779 : i32 to index
      %get3A_861 = arith.constant 208 : index
      %get3A_862 = tpu.vector_load %arg9[%get3A_859, %get3A_860, %get3A_861] {strides = array<i32>} : memref<1x128x256xf32, #tpu.memory_space<vmem>>, vector<1x1x16xf32>,
      %get3A_863 = vector.shape_cast %get3A_862 : vector<1x1x16xf32> to vector<16xf32>
      %get3A_864 = arith.constant 0 : i32
      %get3A_865 = arith.index_cast %get3A_864 : i32 to index
      %get3A_866 = arith.index_cast %add3A_779 : i32 to index
      %get3A_867 = arith.constant 224 : index
      %get3A_868 = tpu.vector_load %arg9[%get3A_865, %get3A_866, %get3A_867] {strides = array<i32>} : memref<1x128x256xf32, #tpu.memory_space<vmem>>, vector<1x1x16xf32>,
      %get3A_869 = vector.shape_cast %get3A_868 : vector<1x1x16xf32> to vector<16xf32>
      %get3A_870 = arith.constant 0 : i32
      %get3A_871 = arith.index_cast %get3A_870 : i32 to index
      %get3A_872 = arith.index_cast %add3A_779 : i32 to index
      %get3A_873 = arith.constant 240 : index
      %get3A_874 = tpu.vector_load %arg9[%get3A_871, %get3A_872, %get3A_873] {strides = array<i32>} : memref<1x128x256xf32, #tpu.memory_space<vmem>>, vector<1x1x16xf32>,
      %get3A_875 = vector.shape_cast %get3A_874 : vector<1x1x16xf32> to vector<16xf32>
      %add3A_876 = arith.addf %scan3A_570, %get3A_591 : vector<16xf32>
      %sub3A_877 = arith.subf %add3A_876, %get3A_785 : vector<16xf32>
      %sub3A_878 = arith.subf %sub3A_877, %get3A_687 : vector<16xf32>
      %mul3A_879 = arith.mulf %sub3A_878, %sub3A_878 : vector<16xf32>
      %add3A_880 = arith.addf %scan3A_566, %mul3A_879 : vector<16xf32>
      %add3A_881 = arith.addf %scan3A_571, %get3A_597 : vector<16xf32>
      %sub3A_882 = arith.subf %add3A_881, %get3A_791 : vector<16xf32>
      %sub3A_883 = arith.subf %sub3A_882, %get3A_693 : vector<16xf32>
      %mul3A_884 = arith.mulf %sub3A_883, %sub3A_883 : vector<16xf32>
      %add3A_885 = arith.addf %scan3A_567, %mul3A_884 : vector<16xf32>
      %add3A_886 = arith.addf %scan3A_572, %get3A_603 : vector<16xf32>
      %sub3A_887 = arith.subf %add3A_886, %get3A_797 : vector<16xf32>
      %sub3A_888 = arith.subf %sub3A_887, %get3A_699 : vector<16xf32>
      %mul3A_889 = arith.mulf %sub3A_888, %sub3A_888 : vector<16xf32>
      %add3A_890 = arith.addf %scan3A_568, %mul3A_889 : vector<16xf32>
      %add3A_891 = arith.addf %scan3A_573, %get3A_609 : vector<16xf32>
      %sub3A_892 = arith.subf %add3A_891, %get3A_803 : vector<16xf32>
      %sub3A_893 = arith.subf %sub3A_892, %get3A_705 : vector<16xf32>
      %mul3A_894 = arith.mulf %sub3A_893, %sub3A_893 : vector<16xf32>
      %add3A_895 = arith.addf %scan3A_569, %mul3A_894 : vector<16xf32>
      %add3A_896 = arith.addf %scan3A_574, %get3A_615 : vector<16xf32>
      %sub3A_897 = arith.subf %add3A_896, %get3A_809 : vector<16xf32>
      %sub3A_898 = arith.subf %sub3A_897, %get3A_711 : vector<16xf32>
      %mul3A_899 = arith.mulf %sub3A_898, %sub3A_898 : vector<16xf32>
      %add3A_900 = arith.addf %add3A_880, %mul3A_899 : vector<16xf32>
      %add3A_901 = arith.addf %scan3A_575, %get3A_621 : vector<16xf32>
      %sub3A_902 = arith.subf %add3A_901, %get3A_815 : vector<16xf32>
      %sub3A_903 = arith.subf %sub3A_902, %get3A_717 : vector<16xf32>
      %mul3A_904 = arith.mulf %sub3A_903, %sub3A_903 : vector<16xf32>
      %add3A_905 = arith.addf %add3A_885, %mul3A_904 : vector<16xf32>
      %add3A_906 = arith.addf %scan3A_576, %get3A_627 : vector<16xf32>
      %sub3A_907 = arith.subf %add3A_906, %get3A_821 : vector<16xf32>
      %sub3A_908 = arith.subf %sub3A_907, %get3A_723 : vector<16xf32>
      %mul3A_909 = arith.mulf %sub3A_908, %sub3A_908 : vector<16xf32>
      %add3A_910 = arith.addf %add3A_890, %mul3A_909 : vector<16xf32>
      %add3A_911 = arith.addf %scan3A_577, %get3A_633 : vector<16xf32>
      %sub3A_912 = arith.subf %add3A_911, %get3A_827 : vector<16xf32>
      %sub3A_913 = arith.subf %sub3A_912, %get3A_729 : vector<16xf32>
      %mul3A_914 = arith.mulf %sub3A_913, %sub3A_913 : vector<16xf32>
      %add3A_915 = arith.addf %add3A_895, %mul3A_914 : vector<16xf32>
      %add3A_916 = arith.addf %scan3A_578, %get3A_639 : vector<16xf32>
      %sub3A_917 = arith.subf %add3A_916, %get3A_833 : vector<16xf32>
      %sub3A_918 = arith.subf %sub3A_917, %get3A_735 : vector<16xf32>
      %mul3A_919 = arith.mulf %sub3A_918, %sub3A_918 : vector<16xf32>
      %add3A_920 = arith.addf %add3A_900, %mul3A_919 : vector<16xf32>
      %add3A_921 = arith.addf %scan3A_579, %get3A_645 : vector<16xf32>
      %sub3A_922 = arith.subf %add3A_921, %get3A_839 : vector<16xf32>
      %sub3A_923 = arith.subf %sub3A_922, %get3A_741 : vector<16xf32>
      %mul3A_924 = arith.mulf %sub3A_923, %sub3A_923 : vector<16xf32>
      %add3A_925 = arith.addf %add3A_905, %mul3A_924 : vector<16xf32>
      %add3A_926 = arith.addf %scan3A_580, %get3A_651 : vector<16xf32>
      %sub3A_927 = arith.subf %add3A_926, %get3A_845 : vector<16xf32>
      %sub3A_928 = arith.subf %sub3A_927, %get3A_747 : vector<16xf32>
      %mul3A_929 = arith.mulf %sub3A_928, %sub3A_928 : vector<16xf32>
      %add3A_930 = arith.addf %add3A_910, %mul3A_929 : vector<16xf32>
      %add3A_931 = arith.addf %scan3A_581, %get3A_657 : vector<16xf32>
      %sub3A_932 = arith.subf %add3A_931, %get3A_851 : vector<16xf32>
      %sub3A_933 = arith.subf %sub3A_932, %get3A_753 : vector<16xf32>
      %mul3A_934 = arith.mulf %sub3A_933, %sub3A_933 : vector<16xf32>
      %add3A_935 = arith.addf %add3A_915, %mul3A_934 : vector<16xf32>
      %add3A_936 = arith.addf %scan3A_582, %get3A_663 : vector<16xf32>
      %sub3A_937 = arith.subf %add3A_936, %get3A_857 : vector<16xf32>
      %sub3A_938 = arith.subf %sub3A_937, %get3A_759 : vector<16xf32>
      %mul3A_939 = arith.mulf %sub3A_938, %sub3A_938 : vector<16xf32>
      %add3A_940 = arith.addf %add3A_920, %mul3A_939 : vector<16xf32>
      %add3A_941 = arith.addf %scan3A_583, %get3A_669 : vector<16xf32>
      %sub3A_942 = arith.subf %add3A_941, %get3A_863 : vector<16xf32>
      %sub3A_943 = arith.subf %sub3A_942, %get3A_765 : vector<16xf32>
      %mul3A_944 = arith.mulf %sub3A_943, %sub3A_943 : vector<16xf32>
      %add3A_945 = arith.addf %add3A_925, %mul3A_944 : vector<16xf32>
      %add3A_946 = arith.addf %scan3A_584, %get3A_675 : vector<16xf32>
      %sub3A_947 = arith.subf %add3A_946, %get3A_869 : vector<16xf32>
      %sub3A_948 = arith.subf %sub3A_947, %get3A_771 : vector<16xf32>
      %mul3A_949 = arith.mulf %sub3A_948, %sub3A_948 : vector<16xf32>
      %add3A_950 = arith.addf %add3A_930, %mul3A_949 : vector<16xf32>
      %add3A_951 = arith.addf %scan3A_585, %get3A_681 : vector<16xf32>
      %sub3A_952 = arith.subf %add3A_951, %get3A_875 : vector<16xf32>
      %sub3A_953 = arith.subf %sub3A_952, %get3A_777 : vector<16xf32>
      %mul3A_954 = arith.mulf %sub3A_953, %sub3A_953 : vector<16xf32>
      %add3A_955 = arith.addf %add3A_935, %mul3A_954 : vector<16xf32>
      scf.yield %add3A_940, %add3A_945, %add3A_950, %add3A_955, %get3A_785, %get3A_791, %get3A_797, %get3A_803, %get3A_809, %get3A_815, %get3A_821, %get3A_827, %get3A_833, %get3A_839, %get3A_845, %get3A_851, %get3A_857, %get3A_863, %get3A_869, %get3A_875 : vector<16xf32>, vector<16xf32>, vector<16xf32>, vector<16xf32>, vector<16xf32>, vector<16xf32>, vector<16xf32>, vector<16xf32>, vector<16xf32>, vector<16xf32>, vector<16xf32>, vector<16xf32>, vector<16xf32>, vector<16xf32>, vector<16xf32>, vector<16xf32>, vector<16xf32>, vector<16xf32>, vector<16xf32>, vector<16xf32>
    }
    %scan3A_203 = arith.constant 127 : i32
    %dma_wait3A_204 = tpu.memref_slice %arg5[%mul3A_2] : memref<4096xf32, #tpu.memory_space<hbm>> -> memref<256xf32, #tpu.memory_space<hbm>>
    %dma_wait3A_205 = tpu.memref_slice %arg5[%mul3A_2] : memref<4096xf32, #tpu.memory_space<hbm>> -> memref<256xf32, #tpu.memory_space<hbm>>
    tpu.wait_dma2 semaphore(%arg14 : memref<!tpu.dma_semaphore, #tpu.memory_space<semaphore_mem>>) src(%dma_wait3A_205 : memref<256xf32, #tpu.memory_space<hbm>>) dst(%arg10 : memref<256xf32, #tpu.memory_space<vmem>>)
    %get3A_206 = arith.constant 0 : index
    %get3A_207 = tpu.vector_load %arg10[%get3A_206] {strides = array<i32>} : memref<256xf32, #tpu.memory_space<vmem>>, vector<16xf32>,
    %get3A_208 = vector.shape_cast %get3A_207 : vector<16xf32> to vector<16xf32>
    %get3A_209 = arith.constant 16 : index
    %get3A_210 = tpu.vector_load %arg10[%get3A_209] {strides = array<i32>} : memref<256xf32, #tpu.memory_space<vmem>>, vector<16xf32>,
    %get3A_211 = vector.shape_cast %get3A_210 : vector<16xf32> to vector<16xf32>
    %get3A_212 = arith.constant 32 : index
    %get3A_213 = tpu.vector_load %arg10[%get3A_212] {strides = array<i32>} : memref<256xf32, #tpu.memory_space<vmem>>, vector<16xf32>,
    %get3A_214 = vector.shape_cast %get3A_213 : vector<16xf32> to vector<16xf32>
    %get3A_215 = arith.constant 48 : index
    %get3A_216 = tpu.vector_load %arg10[%get3A_215] {strides = array<i32>} : memref<256xf32, #tpu.memory_space<vmem>>, vector<16xf32>,
    %get3A_217 = vector.shape_cast %get3A_216 : vector<16xf32> to vector<16xf32>
    %get3A_218 = arith.constant 64 : index
    %get3A_219 = tpu.vector_load %arg10[%get3A_218] {strides = array<i32>} : memref<256xf32, #tpu.memory_space<vmem>>, vector<16xf32>,
    %get3A_220 = vector.shape_cast %get3A_219 : vector<16xf32> to vector<16xf32>
    %get3A_221 = arith.constant 80 : index
    %get3A_222 = tpu.vector_load %arg10[%get3A_221] {strides = array<i32>} : memref<256xf32, #tpu.memory_space<vmem>>, vector<16xf32>,
    %get3A_223 = vector.shape_cast %get3A_222 : vector<16xf32> to vector<16xf32>
    %get3A_224 = arith.constant 96 : index
    %get3A_225 = tpu.vector_load %arg10[%get3A_224] {strides = array<i32>} : memref<256xf32, #tpu.memory_space<vmem>>, vector<16xf32>,
    %get3A_226 = vector.shape_cast %get3A_225 : vector<16xf32> to vector<16xf32>
    %get3A_227 = arith.constant 112 : index
    %get3A_228 = tpu.vector_load %arg10[%get3A_227] {strides = array<i32>} : memref<256xf32, #tpu.memory_space<vmem>>, vector<16xf32>,
    %get3A_229 = vector.shape_cast %get3A_228 : vector<16xf32> to vector<16xf32>
    %get3A_230 = arith.constant 128 : index
    %get3A_231 = tpu.vector_load %arg10[%get3A_230] {strides = array<i32>} : memref<256xf32, #tpu.memory_space<vmem>>, vector<16xf32>,
    %get3A_232 = vector.shape_cast %get3A_231 : vector<16xf32> to vector<16xf32>
    %get3A_233 = arith.constant 144 : index
    %get3A_234 = tpu.vector_load %arg10[%get3A_233] {strides = array<i32>} : memref<256xf32, #tpu.memory_space<vmem>>, vector<16xf32>,
    %get3A_235 = vector.shape_cast %get3A_234 : vector<16xf32> to vector<16xf32>
    %get3A_236 = arith.constant 160 : index
    %get3A_237 = tpu.vector_load %arg10[%get3A_236] {strides = array<i32>} : memref<256xf32, #tpu.memory_space<vmem>>, vector<16xf32>,
    %get3A_238 = vector.shape_cast %get3A_237 : vector<16xf32> to vector<16xf32>
    %get3A_239 = arith.constant 176 : index
    %get3A_240 = tpu.vector_load %arg10[%get3A_239] {strides = array<i32>} : memref<256xf32, #tpu.memory_space<vmem>>, vector<16xf32>,
    %get3A_241 = vector.shape_cast %get3A_240 : vector<16xf32> to vector<16xf32>
    %get3A_242 = arith.constant 192 : index
    %get3A_243 = tpu.vector_load %arg10[%get3A_242] {strides = array<i32>} : memref<256xf32, #tpu.memory_space<vmem>>, vector<16xf32>,
    %get3A_244 = vector.shape_cast %get3A_243 : vector<16xf32> to vector<16xf32>
    %get3A_245 = arith.constant 208 : index
    %get3A_246 = tpu.vector_load %arg10[%get3A_245] {strides = array<i32>} : memref<256xf32, #tpu.memory_space<vmem>>, vector<16xf32>,
    %get3A_247 = vector.shape_cast %get3A_246 : vector<16xf32> to vector<16xf32>
    %get3A_248 = arith.constant 224 : index
    %get3A_249 = tpu.vector_load %arg10[%get3A_248] {strides = array<i32>} : memref<256xf32, #tpu.memory_space<vmem>>, vector<16xf32>,
    %get3A_250 = vector.shape_cast %get3A_249 : vector<16xf32> to vector<16xf32>
    %get3A_251 = arith.constant 240 : index
    %get3A_252 = tpu.vector_load %arg10[%get3A_251] {strides = array<i32>} : memref<256xf32, #tpu.memory_space<vmem>>, vector<16xf32>,
    %get3A_253 = vector.shape_cast %get3A_252 : vector<16xf32> to vector<16xf32>
    %get3A_254 = arith.constant 0 : i32
    %get3A_255 = arith.constant 127 : i32
    %get3A_256 = arith.index_cast %get3A_254 : i32 to index
    %get3A_257 = arith.index_cast %get3A_255 : i32 to index
    %get3A_258 = arith.constant 0 : index
    %get3A_259 = tpu.vector_load %arg7[%get3A_256, %get3A_257, %get3A_258] {strides = array<i32>} : memref<1x128x256xf32, #tpu.memory_space<vmem>>, vector<1x1x16xf32>,
    %get3A_260 = vector.shape_cast %get3A_259 : vector<1x1x16xf32> to vector<16xf32>
    %get3A_261 = arith.constant 0 : i32
    %get3A_262 = arith.constant 127 : i32
    %get3A_263 = arith.index_cast %get3A_261 : i32 to index
    %get3A_264 = arith.index_cast %get3A_262 : i32 to index
    %get3A_265 = arith.constant 16 : index
    %get3A_266 = tpu.vector_load %arg7[%get3A_263, %get3A_264, %get3A_265] {strides = array<i32>} : memref<1x128x256xf32, #tpu.memory_space<vmem>>, vector<1x1x16xf32>,
    %get3A_267 = vector.shape_cast %get3A_266 : vector<1x1x16xf32> to vector<16xf32>
    %get3A_268 = arith.constant 0 : i32
    %get3A_269 = arith.constant 127 : i32
    %get3A_270 = arith.index_cast %get3A_268 : i32 to index
    %get3A_271 = arith.index_cast %get3A_269 : i32 to index
    %get3A_272 = arith.constant 32 : index
    %get3A_273 = tpu.vector_load %arg7[%get3A_270, %get3A_271, %get3A_272] {strides = array<i32>} : memref<1x128x256xf32, #tpu.memory_space<vmem>>, vector<1x1x16xf32>,
    %get3A_274 = vector.shape_cast %get3A_273 : vector<1x1x16xf32> to vector<16xf32>
    %get3A_275 = arith.constant 0 : i32
    %get3A_276 = arith.constant 127 : i32
    %get3A_277 = arith.index_cast %get3A_275 : i32 to index
    %get3A_278 = arith.index_cast %get3A_276 : i32 to index
    %get3A_279 = arith.constant 48 : index
    %get3A_280 = tpu.vector_load %arg7[%get3A_277, %get3A_278, %get3A_279] {strides = array<i32>} : memref<1x128x256xf32, #tpu.memory_space<vmem>>, vector<1x1x16xf32>,
    %get3A_281 = vector.shape_cast %get3A_280 : vector<1x1x16xf32> to vector<16xf32>
    %get3A_282 = arith.constant 0 : i32
    %get3A_283 = arith.constant 127 : i32
    %get3A_284 = arith.index_cast %get3A_282 : i32 to index
    %get3A_285 = arith.index_cast %get3A_283 : i32 to index
    %get3A_286 = arith.constant 64 : index
    %get3A_287 = tpu.vector_load %arg7[%get3A_284, %get3A_285, %get3A_286] {strides = array<i32>} : memref<1x128x256xf32, #tpu.memory_space<vmem>>, vector<1x1x16xf32>,
    %get3A_288 = vector.shape_cast %get3A_287 : vector<1x1x16xf32> to vector<16xf32>
    %get3A_289 = arith.constant 0 : i32
    %get3A_290 = arith.constant 127 : i32
    %get3A_291 = arith.index_cast %get3A_289 : i32 to index
    %get3A_292 = arith.index_cast %get3A_290 : i32 to index
    %get3A_293 = arith.constant 80 : index
    %get3A_294 = tpu.vector_load %arg7[%get3A_291, %get3A_292, %get3A_293] {strides = array<i32>} : memref<1x128x256xf32, #tpu.memory_space<vmem>>, vector<1x1x16xf32>,
    %get3A_295 = vector.shape_cast %get3A_294 : vector<1x1x16xf32> to vector<16xf32>
    %get3A_296 = arith.constant 0 : i32
    %get3A_297 = arith.constant 127 : i32
    %get3A_298 = arith.index_cast %get3A_296 : i32 to index
    %get3A_299 = arith.index_cast %get3A_297 : i32 to index
    %get3A_300 = arith.constant 96 : index
    %get3A_301 = tpu.vector_load %arg7[%get3A_298, %get3A_299, %get3A_300] {strides = array<i32>} : memref<1x128x256xf32, #tpu.memory_space<vmem>>, vector<1x1x16xf32>,
    %get3A_302 = vector.shape_cast %get3A_301 : vector<1x1x16xf32> to vector<16xf32>
    %get3A_303 = arith.constant 0 : i32
    %get3A_304 = arith.constant 127 : i32
    %get3A_305 = arith.index_cast %get3A_303 : i32 to index
    %get3A_306 = arith.index_cast %get3A_304 : i32 to index
    %get3A_307 = arith.constant 112 : index
    %get3A_308 = tpu.vector_load %arg7[%get3A_305, %get3A_306, %get3A_307] {strides = array<i32>} : memref<1x128x256xf32, #tpu.memory_space<vmem>>, vector<1x1x16xf32>,
    %get3A_309 = vector.shape_cast %get3A_308 : vector<1x1x16xf32> to vector<16xf32>
    %get3A_310 = arith.constant 0 : i32
    %get3A_311 = arith.constant 127 : i32
    %get3A_312 = arith.index_cast %get3A_310 : i32 to index
    %get3A_313 = arith.index_cast %get3A_311 : i32 to index
    %get3A_314 = arith.constant 128 : index
    %get3A_315 = tpu.vector_load %arg7[%get3A_312, %get3A_313, %get3A_314] {strides = array<i32>} : memref<1x128x256xf32, #tpu.memory_space<vmem>>, vector<1x1x16xf32>,
    %get3A_316 = vector.shape_cast %get3A_315 : vector<1x1x16xf32> to vector<16xf32>
    %get3A_317 = arith.constant 0 : i32
    %get3A_318 = arith.constant 127 : i32
    %get3A_319 = arith.index_cast %get3A_317 : i32 to index
    %get3A_320 = arith.index_cast %get3A_318 : i32 to index
    %get3A_321 = arith.constant 144 : index
    %get3A_322 = tpu.vector_load %arg7[%get3A_319, %get3A_320, %get3A_321] {strides = array<i32>} : memref<1x128x256xf32, #tpu.memory_space<vmem>>, vector<1x1x16xf32>,
    %get3A_323 = vector.shape_cast %get3A_322 : vector<1x1x16xf32> to vector<16xf32>
    %get3A_324 = arith.constant 0 : i32
    %get3A_325 = arith.constant 127 : i32
    %get3A_326 = arith.index_cast %get3A_324 : i32 to index
    %get3A_327 = arith.index_cast %get3A_325 : i32 to index
    %get3A_328 = arith.constant 160 : index
    %get3A_329 = tpu.vector_load %arg7[%get3A_326, %get3A_327, %get3A_328] {strides = array<i32>} : memref<1x128x256xf32, #tpu.memory_space<vmem>>, vector<1x1x16xf32>,
    %get3A_330 = vector.shape_cast %get3A_329 : vector<1x1x16xf32> to vector<16xf32>
    %get3A_331 = arith.constant 0 : i32
    %get3A_332 = arith.constant 127 : i32
    %get3A_333 = arith.index_cast %get3A_331 : i32 to index
    %get3A_334 = arith.index_cast %get3A_332 : i32 to index
    %get3A_335 = arith.constant 176 : index
    %get3A_336 = tpu.vector_load %arg7[%get3A_333, %get3A_334, %get3A_335] {strides = array<i32>} : memref<1x128x256xf32, #tpu.memory_space<vmem>>, vector<1x1x16xf32>,
    %get3A_337 = vector.shape_cast %get3A_336 : vector<1x1x16xf32> to vector<16xf32>
    %get3A_338 = arith.constant 0 : i32
    %get3A_339 = arith.constant 127 : i32
    %get3A_340 = arith.index_cast %get3A_338 : i32 to index
    %get3A_341 = arith.index_cast %get3A_339 : i32 to index
    %get3A_342 = arith.constant 192 : index
    %get3A_343 = tpu.vector_load %arg7[%get3A_340, %get3A_341, %get3A_342] {strides = array<i32>} : memref<1x128x256xf32, #tpu.memory_space<vmem>>, vector<1x1x16xf32>,
    %get3A_344 = vector.shape_cast %get3A_343 : vector<1x1x16xf32> to vector<16xf32>
    %get3A_345 = arith.constant 0 : i32
    %get3A_346 = arith.constant 127 : i32
    %get3A_347 = arith.index_cast %get3A_345 : i32 to index
    %get3A_348 = arith.index_cast %get3A_346 : i32 to index
    %get3A_349 = arith.constant 208 : index
    %get3A_350 = tpu.vector_load %arg7[%get3A_347, %get3A_348, %get3A_349] {strides = array<i32>} : memref<1x128x256xf32, #tpu.memory_space<vmem>>, vector<1x1x16xf32>,
    %get3A_351 = vector.shape_cast %get3A_350 : vector<1x1x16xf32> to vector<16xf32>
    %get3A_352 = arith.constant 0 : i32
    %get3A_353 = arith.constant 127 : i32
    %get3A_354 = arith.index_cast %get3A_352 : i32 to index
    %get3A_355 = arith.index_cast %get3A_353 : i32 to index
    %get3A_356 = arith.constant 224 : index
    %get3A_357 = tpu.vector_load %arg7[%get3A_354, %get3A_355, %get3A_356] {strides = array<i32>} : memref<1x128x256xf32, #tpu.memory_space<vmem>>, vector<1x1x16xf32>,
    %get3A_358 = vector.shape_cast %get3A_357 : vector<1x1x16xf32> to vector<16xf32>
    %get3A_359 = arith.constant 0 : i32
    %get3A_360 = arith.constant 127 : i32
    %get3A_361 = arith.index_cast %get3A_359 : i32 to index
    %get3A_362 = arith.index_cast %get3A_360 : i32 to index
    %get3A_363 = arith.constant 240 : index
    %get3A_364 = tpu.vector_load %arg7[%get3A_361, %get3A_362, %get3A_363] {strides = array<i32>} : memref<1x128x256xf32, #tpu.memory_space<vmem>>, vector<1x1x16xf32>,
    %get3A_365 = vector.shape_cast %get3A_364 : vector<1x1x16xf32> to vector<16xf32>
    %get3A_366 = arith.constant 0 : i32
    %get3A_367 = arith.constant 127 : i32
    %get3A_368 = arith.index_cast %get3A_366 : i32 to index
    %get3A_369 = arith.index_cast %get3A_367 : i32 to index
    %get3A_370 = arith.constant 0 : index
    %get3A_371 = tpu.vector_load %arg8[%get3A_368, %get3A_369, %get3A_370] {strides = array<i32>} : memref<1x128x256xf32, #tpu.memory_space<vmem>>, vector<1x1x16xf32>,
    %get3A_372 = vector.shape_cast %get3A_371 : vector<1x1x16xf32> to vector<16xf32>
    %get3A_373 = arith.constant 0 : i32
    %get3A_374 = arith.constant 127 : i32
    %get3A_375 = arith.index_cast %get3A_373 : i32 to index
    %get3A_376 = arith.index_cast %get3A_374 : i32 to index
    %get3A_377 = arith.constant 16 : index
    %get3A_378 = tpu.vector_load %arg8[%get3A_375, %get3A_376, %get3A_377] {strides = array<i32>} : memref<1x128x256xf32, #tpu.memory_space<vmem>>, vector<1x1x16xf32>,
    %get3A_379 = vector.shape_cast %get3A_378 : vector<1x1x16xf32> to vector<16xf32>
    %get3A_380 = arith.constant 0 : i32
    %get3A_381 = arith.constant 127 : i32
    %get3A_382 = arith.index_cast %get3A_380 : i32 to index
    %get3A_383 = arith.index_cast %get3A_381 : i32 to index
    %get3A_384 = arith.constant 32 : index
    %get3A_385 = tpu.vector_load %arg8[%get3A_382, %get3A_383, %get3A_384] {strides = array<i32>} : memref<1x128x256xf32, #tpu.memory_space<vmem>>, vector<1x1x16xf32>,
    %get3A_386 = vector.shape_cast %get3A_385 : vector<1x1x16xf32> to vector<16xf32>
    %get3A_387 = arith.constant 0 : i32
    %get3A_388 = arith.constant 127 : i32
    %get3A_389 = arith.index_cast %get3A_387 : i32 to index
    %get3A_390 = arith.index_cast %get3A_388 : i32 to index
    %get3A_391 = arith.constant 48 : index
    %get3A_392 = tpu.vector_load %arg8[%get3A_389, %get3A_390, %get3A_391] {strides = array<i32>} : memref<1x128x256xf32, #tpu.memory_space<vmem>>, vector<1x1x16xf32>,
    %get3A_393 = vector.shape_cast %get3A_392 : vector<1x1x16xf32> to vector<16xf32>
    %get3A_394 = arith.constant 0 : i32
    %get3A_395 = arith.constant 127 : i32
    %get3A_396 = arith.index_cast %get3A_394 : i32 to index
    %get3A_397 = arith.index_cast %get3A_395 : i32 to index
    %get3A_398 = arith.constant 64 : index
    %get3A_399 = tpu.vector_load %arg8[%get3A_396, %get3A_397, %get3A_398] {strides = array<i32>} : memref<1x128x256xf32, #tpu.memory_space<vmem>>, vector<1x1x16xf32>,
    %get3A_400 = vector.shape_cast %get3A_399 : vector<1x1x16xf32> to vector<16xf32>
    %get3A_401 = arith.constant 0 : i32
    %get3A_402 = arith.constant 127 : i32
    %get3A_403 = arith.index_cast %get3A_401 : i32 to index
    %get3A_404 = arith.index_cast %get3A_402 : i32 to index
    %get3A_405 = arith.constant 80 : index
    %get3A_406 = tpu.vector_load %arg8[%get3A_403, %get3A_404, %get3A_405] {strides = array<i32>} : memref<1x128x256xf32, #tpu.memory_space<vmem>>, vector<1x1x16xf32>,
    %get3A_407 = vector.shape_cast %get3A_406 : vector<1x1x16xf32> to vector<16xf32>
    %get3A_408 = arith.constant 0 : i32
    %get3A_409 = arith.constant 127 : i32
    %get3A_410 = arith.index_cast %get3A_408 : i32 to index
    %get3A_411 = arith.index_cast %get3A_409 : i32 to index
    %get3A_412 = arith.constant 96 : index
    %get3A_413 = tpu.vector_load %arg8[%get3A_410, %get3A_411, %get3A_412] {strides = array<i32>} : memref<1x128x256xf32, #tpu.memory_space<vmem>>, vector<1x1x16xf32>,
    %get3A_414 = vector.shape_cast %get3A_413 : vector<1x1x16xf32> to vector<16xf32>
    %get3A_415 = arith.constant 0 : i32
    %get3A_416 = arith.constant 127 : i32
    %get3A_417 = arith.index_cast %get3A_415 : i32 to index
    %get3A_418 = arith.index_cast %get3A_416 : i32 to index
    %get3A_419 = arith.constant 112 : index
    %get3A_420 = tpu.vector_load %arg8[%get3A_417, %get3A_418, %get3A_419] {strides = array<i32>} : memref<1x128x256xf32, #tpu.memory_space<vmem>>, vector<1x1x16xf32>,
    %get3A_421 = vector.shape_cast %get3A_420 : vector<1x1x16xf32> to vector<16xf32>
    %get3A_422 = arith.constant 0 : i32
    %get3A_423 = arith.constant 127 : i32
    %get3A_424 = arith.index_cast %get3A_422 : i32 to index
    %get3A_425 = arith.index_cast %get3A_423 : i32 to index
    %get3A_426 = arith.constant 128 : index
    %get3A_427 = tpu.vector_load %arg8[%get3A_424, %get3A_425, %get3A_426] {strides = array<i32>} : memref<1x128x256xf32, #tpu.memory_space<vmem>>, vector<1x1x16xf32>,
    %get3A_428 = vector.shape_cast %get3A_427 : vector<1x1x16xf32> to vector<16xf32>
    %get3A_429 = arith.constant 0 : i32
    %get3A_430 = arith.constant 127 : i32
    %get3A_431 = arith.index_cast %get3A_429 : i32 to index
    %get3A_432 = arith.index_cast %get3A_430 : i32 to index
    %get3A_433 = arith.constant 144 : index
    %get3A_434 = tpu.vector_load %arg8[%get3A_431, %get3A_432, %get3A_433] {strides = array<i32>} : memref<1x128x256xf32, #tpu.memory_space<vmem>>, vector<1x1x16xf32>,
    %get3A_435 = vector.shape_cast %get3A_434 : vector<1x1x16xf32> to vector<16xf32>
    %get3A_436 = arith.constant 0 : i32
    %get3A_437 = arith.constant 127 : i32
    %get3A_438 = arith.index_cast %get3A_436 : i32 to index
    %get3A_439 = arith.index_cast %get3A_437 : i32 to index
    %get3A_440 = arith.constant 160 : index
    %get3A_441 = tpu.vector_load %arg8[%get3A_438, %get3A_439, %get3A_440] {strides = array<i32>} : memref<1x128x256xf32, #tpu.memory_space<vmem>>, vector<1x1x16xf32>,
    %get3A_442 = vector.shape_cast %get3A_441 : vector<1x1x16xf32> to vector<16xf32>
    %get3A_443 = arith.constant 0 : i32
    %get3A_444 = arith.constant 127 : i32
    %get3A_445 = arith.index_cast %get3A_443 : i32 to index
    %get3A_446 = arith.index_cast %get3A_444 : i32 to index
    %get3A_447 = arith.constant 176 : index
    %get3A_448 = tpu.vector_load %arg8[%get3A_445, %get3A_446, %get3A_447] {strides = array<i32>} : memref<1x128x256xf32, #tpu.memory_space<vmem>>, vector<1x1x16xf32>,
    %get3A_449 = vector.shape_cast %get3A_448 : vector<1x1x16xf32> to vector<16xf32>
    %get3A_450 = arith.constant 0 : i32
    %get3A_451 = arith.constant 127 : i32
    %get3A_452 = arith.index_cast %get3A_450 : i32 to index
    %get3A_453 = arith.index_cast %get3A_451 : i32 to index
    %get3A_454 = arith.constant 192 : index
    %get3A_455 = tpu.vector_load %arg8[%get3A_452, %get3A_453, %get3A_454] {strides = array<i32>} : memref<1x128x256xf32, #tpu.memory_space<vmem>>, vector<1x1x16xf32>,
    %get3A_456 = vector.shape_cast %get3A_455 : vector<1x1x16xf32> to vector<16xf32>
    %get3A_457 = arith.constant 0 : i32
    %get3A_458 = arith.constant 127 : i32
    %get3A_459 = arith.index_cast %get3A_457 : i32 to index
    %get3A_460 = arith.index_cast %get3A_458 : i32 to index
    %get3A_461 = arith.constant 208 : index
    %get3A_462 = tpu.vector_load %arg8[%get3A_459, %get3A_460, %get3A_461] {strides = array<i32>} : memref<1x128x256xf32, #tpu.memory_space<vmem>>, vector<1x1x16xf32>,
    %get3A_463 = vector.shape_cast %get3A_462 : vector<1x1x16xf32> to vector<16xf32>
    %get3A_464 = arith.constant 0 : i32
    %get3A_465 = arith.constant 127 : i32
    %get3A_466 = arith.index_cast %get3A_464 : i32 to index
    %get3A_467 = arith.index_cast %get3A_465 : i32 to index
    %get3A_468 = arith.constant 224 : index
    %get3A_469 = tpu.vector_load %arg8[%get3A_466, %get3A_467, %get3A_468] {strides = array<i32>} : memref<1x128x256xf32, #tpu.memory_space<vmem>>, vector<1x1x16xf32>,
    %get3A_470 = vector.shape_cast %get3A_469 : vector<1x1x16xf32> to vector<16xf32>
    %get3A_471 = arith.constant 0 : i32
    %get3A_472 = arith.constant 127 : i32
    %get3A_473 = arith.index_cast %get3A_471 : i32 to index
    %get3A_474 = arith.index_cast %get3A_472 : i32 to index
    %get3A_475 = arith.constant 240 : index
    %get3A_476 = tpu.vector_load %arg8[%get3A_473, %get3A_474, %get3A_475] {strides = array<i32>} : memref<1x128x256xf32, #tpu.memory_space<vmem>>, vector<1x1x16xf32>,
    %get3A_477 = vector.shape_cast %get3A_476 : vector<1x1x16xf32> to vector<16xf32>
    %add3A_478 = arith.addf %scan3A_202#4, %get3A_260 : vector<16xf32>
    %sub3A = arith.subf %add3A_478, %get3A_208 : vector<16xf32>
    %sub3A_479 = arith.subf %sub3A, %get3A_372 : vector<16xf32>
    %mul3A_480 = arith.mulf %sub3A_479, %sub3A_479 : vector<16xf32>
    %add3A_481 = arith.addf %scan3A_202#0, %mul3A_480 : vector<16xf32>
    %add3A_482 = arith.addf %scan3A_202#5, %get3A_267 : vector<16xf32>
    %sub3A_483 = arith.subf %add3A_482, %get3A_211 : vector<16xf32>
    %sub3A_484 = arith.subf %sub3A_483, %get3A_379 : vector<16xf32>
    %mul3A_485 = arith.mulf %sub3A_484, %sub3A_484 : vector<16xf32>
    %add3A_486 = arith.addf %scan3A_202#1, %mul3A_485 : vector<16xf32>
    %add3A_487 = arith.addf %scan3A_202#6, %get3A_274 : vector<16xf32>
    %sub3A_488 = arith.subf %add3A_487, %get3A_214 : vector<16xf32>
    %sub3A_489 = arith.subf %sub3A_488, %get3A_386 : vector<16xf32>
    %mul3A_490 = arith.mulf %sub3A_489, %sub3A_489 : vector<16xf32>
    %add3A_491 = arith.addf %scan3A_202#2, %mul3A_490 : vector<16xf32>
    %add3A_492 = arith.addf %scan3A_202#7, %get3A_281 : vector<16xf32>
    %sub3A_493 = arith.subf %add3A_492, %get3A_217 : vector<16xf32>
    %sub3A_494 = arith.subf %sub3A_493, %get3A_393 : vector<16xf32>
    %mul3A_495 = arith.mulf %sub3A_494, %sub3A_494 : vector<16xf32>
    %add3A_496 = arith.addf %scan3A_202#3, %mul3A_495 : vector<16xf32>
    %add3A_497 = arith.addf %scan3A_202#8, %get3A_288 : vector<16xf32>
    %sub3A_498 = arith.subf %add3A_497, %get3A_220 : vector<16xf32>
    %sub3A_499 = arith.subf %sub3A_498, %get3A_400 : vector<16xf32>
    %mul3A_500 = arith.mulf %sub3A_499, %sub3A_499 : vector<16xf32>
    %add3A_501 = arith.addf %add3A_481, %mul3A_500 : vector<16xf32>
    %add3A_502 = arith.addf %scan3A_202#9, %get3A_295 : vector<16xf32>
    %sub3A_503 = arith.subf %add3A_502, %get3A_223 : vector<16xf32>
    %sub3A_504 = arith.subf %sub3A_503, %get3A_407 : vector<16xf32>
    %mul3A_505 = arith.mulf %sub3A_504, %sub3A_504 : vector<16xf32>
    %add3A_506 = arith.addf %add3A_486, %mul3A_505 : vector<16xf32>
    %add3A_507 = arith.addf %scan3A_202#10, %get3A_302 : vector<16xf32>
    %sub3A_508 = arith.subf %add3A_507, %get3A_226 : vector<16xf32>
    %sub3A_509 = arith.subf %sub3A_508, %get3A_414 : vector<16xf32>
    %mul3A_510 = arith.mulf %sub3A_509, %sub3A_509 : vector<16xf32>
    %add3A_511 = arith.addf %add3A_491, %mul3A_510 : vector<16xf32>
    %add3A_512 = arith.addf %scan3A_202#11, %get3A_309 : vector<16xf32>
    %sub3A_513 = arith.subf %add3A_512, %get3A_229 : vector<16xf32>
    %sub3A_514 = arith.subf %sub3A_513, %get3A_421 : vector<16xf32>
    %mul3A_515 = arith.mulf %sub3A_514, %sub3A_514 : vector<16xf32>
    %add3A_516 = arith.addf %add3A_496, %mul3A_515 : vector<16xf32>
    %add3A_517 = arith.addf %scan3A_202#12, %get3A_316 : vector<16xf32>
    %sub3A_518 = arith.subf %add3A_517, %get3A_232 : vector<16xf32>
    %sub3A_519 = arith.subf %sub3A_518, %get3A_428 : vector<16xf32>
    %mul3A_520 = arith.mulf %sub3A_519, %sub3A_519 : vector<16xf32>
    %add3A_521 = arith.addf %add3A_501, %mul3A_520 : vector<16xf32>
    %add3A_522 = arith.addf %scan3A_202#13, %get3A_323 : vector<16xf32>
    %sub3A_523 = arith.subf %add3A_522, %get3A_235 : vector<16xf32>
    %sub3A_524 = arith.subf %sub3A_523, %get3A_435 : vector<16xf32>
    %mul3A_525 = arith.mulf %sub3A_524, %sub3A_524 : vector<16xf32>
    %add3A_526 = arith.addf %add3A_506, %mul3A_525 : vector<16xf32>
    %add3A_527 = arith.addf %scan3A_202#14, %get3A_330 : vector<16xf32>
    %sub3A_528 = arith.subf %add3A_527, %get3A_238 : vector<16xf32>
    %sub3A_529 = arith.subf %sub3A_528, %get3A_442 : vector<16xf32>
    %mul3A_530 = arith.mulf %sub3A_529, %sub3A_529 : vector<16xf32>
    %add3A_531 = arith.addf %add3A_511, %mul3A_530 : vector<16xf32>
    %add3A_532 = arith.addf %scan3A_202#15, %get3A_337 : vector<16xf32>
    %sub3A_533 = arith.subf %add3A_532, %get3A_241 : vector<16xf32>
    %sub3A_534 = arith.subf %sub3A_533, %get3A_449 : vector<16xf32>
    %mul3A_535 = arith.mulf %sub3A_534, %sub3A_534 : vector<16xf32>
    %add3A_536 = arith.addf %add3A_516, %mul3A_535 : vector<16xf32>
    %add3A_537 = arith.addf %scan3A_202#16, %get3A_344 : vector<16xf32>
    %sub3A_538 = arith.subf %add3A_537, %get3A_244 : vector<16xf32>
    %sub3A_539 = arith.subf %sub3A_538, %get3A_456 : vector<16xf32>
    %mul3A_540 = arith.mulf %sub3A_539, %sub3A_539 : vector<16xf32>
    %add3A_541 = arith.addf %add3A_521, %mul3A_540 : vector<16xf32>
    %add3A_542 = arith.addf %scan3A_202#17, %get3A_351 : vector<16xf32>
    %sub3A_543 = arith.subf %add3A_542, %get3A_247 : vector<16xf32>
    %sub3A_544 = arith.subf %sub3A_543, %get3A_463 : vector<16xf32>
    %mul3A_545 = arith.mulf %sub3A_544, %sub3A_544 : vector<16xf32>
    %add3A_546 = arith.addf %add3A_526, %mul3A_545 : vector<16xf32>
    %add3A_547 = arith.addf %scan3A_202#18, %get3A_358 : vector<16xf32>
    %sub3A_548 = arith.subf %add3A_547, %get3A_250 : vector<16xf32>
    %sub3A_549 = arith.subf %sub3A_548, %get3A_470 : vector<16xf32>
    %mul3A_550 = arith.mulf %sub3A_549, %sub3A_549 : vector<16xf32>
    %add3A_551 = arith.addf %add3A_531, %mul3A_550 : vector<16xf32>
    %add3A_552 = arith.addf %scan3A_202#19, %get3A_365 : vector<16xf32>
    %sub3A_553 = arith.subf %add3A_552, %get3A_253 : vector<16xf32>
    %sub3A_554 = arith.subf %sub3A_553, %get3A_477 : vector<16xf32>
    %mul3A_555 = arith.mulf %sub3A_554, %sub3A_554 : vector<16xf32>
    %add3A_556 = arith.addf %add3A_536, %mul3A_555 : vector<16xf32>
    %add3A_557 = arith.addf %add3A_541, %add3A_546 : vector<16xf32>
    %add3A_558 = arith.addf %add3A_557, %add3A_551 : vector<16xf32>
    %add3A_559 = arith.addf %add3A_558, %add3A_556 : vector<16xf32>
    %swap3A = arith.constant 0 : index
    %swap3A_560 = tpu.vector_load %arg11[%swap3A] {strides = array<i32>} : memref<16xf32, #tpu.memory_space<vmem>>, vector<16xf32>,
    %swap3A_561 = vector.shape_cast %swap3A_560 : vector<16xf32> to vector<16xf32>
    %swap3A_562 = vector.shape_cast %add3A_559 : vector<16xf32> to vector<16xf32>
    tpu.vector_store %arg11[%swap3A], %swap3A_562 {strides = array<i32>} : memref<16xf32, #tpu.memory_space<vmem>>, vector<16xf32>,
    %mul3A_563 = arith.constant 16 : i32
    %mul3A_564 = arith.muli %add3A, %mul3A_563 : i32
    "tpu.region"() ({
      %run_scoped3A = tpu.sem_alloc : memref<!tpu.dma_semaphore, #tpu.memory_space<semaphore_mem>>
      %dma_start3A_565 = tpu.memref_slice %arg6[%mul3A_564] : memref<256xf32, #tpu.memory_space<hbm>> -> memref<16xf32, #tpu.memory_space<hbm>>
      %dma_start3A_566 = tpu.memref_slice %arg6[%mul3A_564] : memref<256xf32, #tpu.memory_space<hbm>> -> memref<16xf32, #tpu.memory_space<hbm>>
      tpu.enqueue_dma source(%arg11 : memref<16xf32, #tpu.memory_space<vmem>>) target(%dma_start3A_566 : memref<16xf32, #tpu.memory_space<hbm>>) target_semaphore(%run_scoped3A : memref<!tpu.dma_semaphore, #tpu.memory_space<semaphore_mem>>)
      %dma_wait3A_567 = tpu.memref_slice %arg6[%mul3A_564] : memref<256xf32, #tpu.memory_space<hbm>> -> memref<16xf32, #tpu.memory_space<hbm>>
      %dma_wait3A_568 = tpu.memref_slice %arg6[%mul3A_564] : memref<256xf32, #tpu.memory_space<hbm>> -> memref<16xf32, #tpu.memory_space<hbm>>
      tpu.wait_dma2 semaphore(%run_scoped3A : memref<!tpu.dma_semaphore, #tpu.memory_space<semaphore_mem>>) src(%arg11 : memref<16xf32, #tpu.memory_space<vmem>>) dst(%dma_wait3A_568 : memref<16xf32, #tpu.memory_space<hbm>>)
      tpu.yield
    }) : () -> ()
    return
  }
}

module attributes {stable_mosaic.version = 14 : i64} {
  func.func @_tc_body(%arg0: i32, %arg1: memref<224x4096xf32, #tpu.memory_space<vmem>>, %arg2: memref<224x4096xf32, #tpu.memory_space<vmem>>, %arg3: memref<224x4096xf32, #tpu.memory_space<vmem>>, %arg4: memref<8x4096xf32, #tpu.memory_space<vmem>>, %arg5: memref<1x1xf32, #tpu.memory_space<smem>>, %arg6: memref<8x4096xf32, #tpu.memory_space<vmem>>) attributes {dimension_semantics = [#tpu.dimension_semantics<arbitrary>], iteration_bounds = array<i64: 4>, scalar_prefetch = 0 : i64, scratch_operands = 1 : i64, tpu.core_type = #tpu.core_type<tc>, window_params = [{transform_indices = @transform_0, window_bounds = array<i64: 224, 4096>}, {transform_indices = @transform_1, window_bounds = array<i64: 224, 4096>}, {transform_indices = @transform_2, window_bounds = array<i64: 224, 4096>}, {transform_indices = @transform_3, window_bounds = array<i64: 8, 4096>}, {transform_indices = @transform_4, window_bounds = array<i64: 1, 1>}]} {
    %eq3A = arith.constant 0 : i32
    %eq3A_0 = arith.cmpi eq, %arg0, %eq3A : i32
    %convert_element_type3A = arith.extui %eq3A_0 : i1 to i32
    %cond3A = arith.constant 0 : i32
    %cond3A_1 = arith.cmpi ne, %convert_element_type3A, %cond3A : i32
    scf.if %cond3A_1 {
      %broadcast_in_dim3A = arith.constant 0.000000e+00 : f32
      %broadcast_in_dim3A_242 = vector.broadcast %broadcast_in_dim3A : f32 to vector<8x4096xf32>
      %swap3A_243 = arith.constant 0 : index
      %swap3A_244 = arith.constant 0 : index
      %swap3A_245 = vector.load %arg6[%swap3A_243, %swap3A_244] : memref<8x4096xf32, #tpu.memory_space<vmem>>, vector<8x4096xf32>
      tpu.vector_store %arg6[%swap3A_243, %swap3A_244], %broadcast_in_dim3A_242 {strides = array<i32>} : memref<8x4096xf32, #tpu.memory_space<vmem>>, vector<8x4096xf32>,
    } else {
    }
    %get3A = arith.constant 0 : index
    %get3A_2 = arith.constant 0 : index
    %get3A_3 = vector.load %arg3[%get3A, %get3A_2] : memref<224x4096xf32, #tpu.memory_space<vmem>>, vector<224x4096xf32>
    %slice3A = vector.extract_strided_slice %get3A_3 {offsets = [1, 0], sizes = [223, 4096], strides = [1, 1]} : vector<224x4096xf32> to vector<223x4096xf32>
    %get3A_4 = arith.constant 0 : index
    %get3A_5 = arith.constant 0 : index
    %get3A_6 = vector.load %arg4[%get3A_4, %get3A_5] : memref<8x4096xf32, #tpu.memory_space<vmem>>, vector<1x4096xf32>
    %concatenate3A = tpu.concatenate %slice3A, %get3A_6 in 0 : vector<223x4096xf32>, vector<1x4096xf32> -> vector<224x4096xf32>
    %get3A_7 = arith.constant 0 : index
    %get3A_8 = arith.constant 0 : index
    %get3A_9 = vector.load %arg1[%get3A_7, %get3A_8] : memref<224x4096xf32, #tpu.memory_space<vmem>>, vector<224x4096xf32>
    %add3A = arith.addf %get3A_3, %get3A_9 : vector<224x4096xf32>
    %sub3A = arith.subf %add3A, %concatenate3A : vector<224x4096xf32>
    %get3A_10 = arith.constant 0 : index
    %get3A_11 = arith.constant 0 : index
    %get3A_12 = vector.load %arg2[%get3A_10, %get3A_11] : memref<224x4096xf32, #tpu.memory_space<vmem>>, vector<224x4096xf32>
    %sub3A_13 = arith.subf %sub3A, %get3A_12 : vector<224x4096xf32>
    %mul3A = arith.mulf %sub3A_13, %sub3A_13 : vector<224x4096xf32>
    %get3A_14 = arith.constant 0 : index
    %get3A_15 = arith.constant 0 : index
    %get3A_16 = vector.load %arg6[%get3A_14, %get3A_15] : memref<8x4096xf32, #tpu.memory_space<vmem>>, vector<8x4096xf32>
    %slice3A_17 = vector.extract_strided_slice %mul3A {offsets = [0, 0], sizes = [8, 4096], strides = [1, 1]} : vector<224x4096xf32> to vector<8x4096xf32>
    %add3A_18 = arith.addf %get3A_16, %slice3A_17 : vector<8x4096xf32>
    %swap3A = arith.constant 0 : index
    %swap3A_19 = arith.constant 0 : index
    %swap3A_20 = vector.load %arg6[%swap3A, %swap3A_19] : memref<8x4096xf32, #tpu.memory_space<vmem>>, vector<8x4096xf32>
    tpu.vector_store %arg6[%swap3A, %swap3A_19], %add3A_18 {strides = array<i32>} : memref<8x4096xf32, #tpu.memory_space<vmem>>, vector<8x4096xf32>,
    %get3A_21 = arith.constant 0 : index
    %get3A_22 = arith.constant 0 : index
    %get3A_23 = vector.load %arg6[%get3A_21, %get3A_22] : memref<8x4096xf32, #tpu.memory_space<vmem>>, vector<8x4096xf32>
    %slice3A_24 = vector.extract_strided_slice %mul3A {offsets = [8, 0], sizes = [8, 4096], strides = [1, 1]} : vector<224x4096xf32> to vector<8x4096xf32>
    %add3A_25 = arith.addf %get3A_23, %slice3A_24 : vector<8x4096xf32>
    %swap3A_26 = arith.constant 0 : index
    %swap3A_27 = arith.constant 0 : index
    %swap3A_28 = vector.load %arg6[%swap3A_26, %swap3A_27] : memref<8x4096xf32, #tpu.memory_space<vmem>>, vector<8x4096xf32>
    tpu.vector_store %arg6[%swap3A_26, %swap3A_27], %add3A_25 {strides = array<i32>} : memref<8x4096xf32, #tpu.memory_space<vmem>>, vector<8x4096xf32>,
    %get3A_29 = arith.constant 0 : index
    %get3A_30 = arith.constant 0 : index
    %get3A_31 = vector.load %arg6[%get3A_29, %get3A_30] : memref<8x4096xf32, #tpu.memory_space<vmem>>, vector<8x4096xf32>
    %slice3A_32 = vector.extract_strided_slice %mul3A {offsets = [16, 0], sizes = [8, 4096], strides = [1, 1]} : vector<224x4096xf32> to vector<8x4096xf32>
    %add3A_33 = arith.addf %get3A_31, %slice3A_32 : vector<8x4096xf32>
    %swap3A_34 = arith.constant 0 : index
    %swap3A_35 = arith.constant 0 : index
    %swap3A_36 = vector.load %arg6[%swap3A_34, %swap3A_35] : memref<8x4096xf32, #tpu.memory_space<vmem>>, vector<8x4096xf32>
    tpu.vector_store %arg6[%swap3A_34, %swap3A_35], %add3A_33 {strides = array<i32>} : memref<8x4096xf32, #tpu.memory_space<vmem>>, vector<8x4096xf32>,
    %get3A_37 = arith.constant 0 : index
    %get3A_38 = arith.constant 0 : index
    %get3A_39 = vector.load %arg6[%get3A_37, %get3A_38] : memref<8x4096xf32, #tpu.memory_space<vmem>>, vector<8x4096xf32>
    %slice3A_40 = vector.extract_strided_slice %mul3A {offsets = [24, 0], sizes = [8, 4096], strides = [1, 1]} : vector<224x4096xf32> to vector<8x4096xf32>
    %add3A_41 = arith.addf %get3A_39, %slice3A_40 : vector<8x4096xf32>
    %swap3A_42 = arith.constant 0 : index
    %swap3A_43 = arith.constant 0 : index
    %swap3A_44 = vector.load %arg6[%swap3A_42, %swap3A_43] : memref<8x4096xf32, #tpu.memory_space<vmem>>, vector<8x4096xf32>
    tpu.vector_store %arg6[%swap3A_42, %swap3A_43], %add3A_41 {strides = array<i32>} : memref<8x4096xf32, #tpu.memory_space<vmem>>, vector<8x4096xf32>,
    %get3A_45 = arith.constant 0 : index
    %get3A_46 = arith.constant 0 : index
    %get3A_47 = vector.load %arg6[%get3A_45, %get3A_46] : memref<8x4096xf32, #tpu.memory_space<vmem>>, vector<8x4096xf32>
    %slice3A_48 = vector.extract_strided_slice %mul3A {offsets = [32, 0], sizes = [8, 4096], strides = [1, 1]} : vector<224x4096xf32> to vector<8x4096xf32>
    %add3A_49 = arith.addf %get3A_47, %slice3A_48 : vector<8x4096xf32>
    %swap3A_50 = arith.constant 0 : index
    %swap3A_51 = arith.constant 0 : index
    %swap3A_52 = vector.load %arg6[%swap3A_50, %swap3A_51] : memref<8x4096xf32, #tpu.memory_space<vmem>>, vector<8x4096xf32>
    tpu.vector_store %arg6[%swap3A_50, %swap3A_51], %add3A_49 {strides = array<i32>} : memref<8x4096xf32, #tpu.memory_space<vmem>>, vector<8x4096xf32>,
    %get3A_53 = arith.constant 0 : index
    %get3A_54 = arith.constant 0 : index
    %get3A_55 = vector.load %arg6[%get3A_53, %get3A_54] : memref<8x4096xf32, #tpu.memory_space<vmem>>, vector<8x4096xf32>
    %slice3A_56 = vector.extract_strided_slice %mul3A {offsets = [40, 0], sizes = [8, 4096], strides = [1, 1]} : vector<224x4096xf32> to vector<8x4096xf32>
    %add3A_57 = arith.addf %get3A_55, %slice3A_56 : vector<8x4096xf32>
    %swap3A_58 = arith.constant 0 : index
    %swap3A_59 = arith.constant 0 : index
    %swap3A_60 = vector.load %arg6[%swap3A_58, %swap3A_59] : memref<8x4096xf32, #tpu.memory_space<vmem>>, vector<8x4096xf32>
    tpu.vector_store %arg6[%swap3A_58, %swap3A_59], %add3A_57 {strides = array<i32>} : memref<8x4096xf32, #tpu.memory_space<vmem>>, vector<8x4096xf32>,
    %get3A_61 = arith.constant 0 : index
    %get3A_62 = arith.constant 0 : index
    %get3A_63 = vector.load %arg6[%get3A_61, %get3A_62] : memref<8x4096xf32, #tpu.memory_space<vmem>>, vector<8x4096xf32>
    %slice3A_64 = vector.extract_strided_slice %mul3A {offsets = [48, 0], sizes = [8, 4096], strides = [1, 1]} : vector<224x4096xf32> to vector<8x4096xf32>
    %add3A_65 = arith.addf %get3A_63, %slice3A_64 : vector<8x4096xf32>
    %swap3A_66 = arith.constant 0 : index
    %swap3A_67 = arith.constant 0 : index
    %swap3A_68 = vector.load %arg6[%swap3A_66, %swap3A_67] : memref<8x4096xf32, #tpu.memory_space<vmem>>, vector<8x4096xf32>
    tpu.vector_store %arg6[%swap3A_66, %swap3A_67], %add3A_65 {strides = array<i32>} : memref<8x4096xf32, #tpu.memory_space<vmem>>, vector<8x4096xf32>,
    %get3A_69 = arith.constant 0 : index
    %get3A_70 = arith.constant 0 : index
    %get3A_71 = vector.load %arg6[%get3A_69, %get3A_70] : memref<8x4096xf32, #tpu.memory_space<vmem>>, vector<8x4096xf32>
    %slice3A_72 = vector.extract_strided_slice %mul3A {offsets = [56, 0], sizes = [8, 4096], strides = [1, 1]} : vector<224x4096xf32> to vector<8x4096xf32>
    %add3A_73 = arith.addf %get3A_71, %slice3A_72 : vector<8x4096xf32>
    %swap3A_74 = arith.constant 0 : index
    %swap3A_75 = arith.constant 0 : index
    %swap3A_76 = vector.load %arg6[%swap3A_74, %swap3A_75] : memref<8x4096xf32, #tpu.memory_space<vmem>>, vector<8x4096xf32>
    tpu.vector_store %arg6[%swap3A_74, %swap3A_75], %add3A_73 {strides = array<i32>} : memref<8x4096xf32, #tpu.memory_space<vmem>>, vector<8x4096xf32>,
    %get3A_77 = arith.constant 0 : index
    %get3A_78 = arith.constant 0 : index
    %get3A_79 = vector.load %arg6[%get3A_77, %get3A_78] : memref<8x4096xf32, #tpu.memory_space<vmem>>, vector<8x4096xf32>
    %slice3A_80 = vector.extract_strided_slice %mul3A {offsets = [64, 0], sizes = [8, 4096], strides = [1, 1]} : vector<224x4096xf32> to vector<8x4096xf32>
    %add3A_81 = arith.addf %get3A_79, %slice3A_80 : vector<8x4096xf32>
    %swap3A_82 = arith.constant 0 : index
    %swap3A_83 = arith.constant 0 : index
    %swap3A_84 = vector.load %arg6[%swap3A_82, %swap3A_83] : memref<8x4096xf32, #tpu.memory_space<vmem>>, vector<8x4096xf32>
    tpu.vector_store %arg6[%swap3A_82, %swap3A_83], %add3A_81 {strides = array<i32>} : memref<8x4096xf32, #tpu.memory_space<vmem>>, vector<8x4096xf32>,
    %get3A_85 = arith.constant 0 : index
    %get3A_86 = arith.constant 0 : index
    %get3A_87 = vector.load %arg6[%get3A_85, %get3A_86] : memref<8x4096xf32, #tpu.memory_space<vmem>>, vector<8x4096xf32>
    %slice3A_88 = vector.extract_strided_slice %mul3A {offsets = [72, 0], sizes = [8, 4096], strides = [1, 1]} : vector<224x4096xf32> to vector<8x4096xf32>
    %add3A_89 = arith.addf %get3A_87, %slice3A_88 : vector<8x4096xf32>
    %swap3A_90 = arith.constant 0 : index
    %swap3A_91 = arith.constant 0 : index
    %swap3A_92 = vector.load %arg6[%swap3A_90, %swap3A_91] : memref<8x4096xf32, #tpu.memory_space<vmem>>, vector<8x4096xf32>
    tpu.vector_store %arg6[%swap3A_90, %swap3A_91], %add3A_89 {strides = array<i32>} : memref<8x4096xf32, #tpu.memory_space<vmem>>, vector<8x4096xf32>,
    %get3A_93 = arith.constant 0 : index
    %get3A_94 = arith.constant 0 : index
    %get3A_95 = vector.load %arg6[%get3A_93, %get3A_94] : memref<8x4096xf32, #tpu.memory_space<vmem>>, vector<8x4096xf32>
    %slice3A_96 = vector.extract_strided_slice %mul3A {offsets = [80, 0], sizes = [8, 4096], strides = [1, 1]} : vector<224x4096xf32> to vector<8x4096xf32>
    %add3A_97 = arith.addf %get3A_95, %slice3A_96 : vector<8x4096xf32>
    %swap3A_98 = arith.constant 0 : index
    %swap3A_99 = arith.constant 0 : index
    %swap3A_100 = vector.load %arg6[%swap3A_98, %swap3A_99] : memref<8x4096xf32, #tpu.memory_space<vmem>>, vector<8x4096xf32>
    tpu.vector_store %arg6[%swap3A_98, %swap3A_99], %add3A_97 {strides = array<i32>} : memref<8x4096xf32, #tpu.memory_space<vmem>>, vector<8x4096xf32>,
    %get3A_101 = arith.constant 0 : index
    %get3A_102 = arith.constant 0 : index
    %get3A_103 = vector.load %arg6[%get3A_101, %get3A_102] : memref<8x4096xf32, #tpu.memory_space<vmem>>, vector<8x4096xf32>
    %slice3A_104 = vector.extract_strided_slice %mul3A {offsets = [88, 0], sizes = [8, 4096], strides = [1, 1]} : vector<224x4096xf32> to vector<8x4096xf32>
    %add3A_105 = arith.addf %get3A_103, %slice3A_104 : vector<8x4096xf32>
    %swap3A_106 = arith.constant 0 : index
    %swap3A_107 = arith.constant 0 : index
    %swap3A_108 = vector.load %arg6[%swap3A_106, %swap3A_107] : memref<8x4096xf32, #tpu.memory_space<vmem>>, vector<8x4096xf32>
    tpu.vector_store %arg6[%swap3A_106, %swap3A_107], %add3A_105 {strides = array<i32>} : memref<8x4096xf32, #tpu.memory_space<vmem>>, vector<8x4096xf32>,
    %get3A_109 = arith.constant 0 : index
    %get3A_110 = arith.constant 0 : index
    %get3A_111 = vector.load %arg6[%get3A_109, %get3A_110] : memref<8x4096xf32, #tpu.memory_space<vmem>>, vector<8x4096xf32>
    %slice3A_112 = vector.extract_strided_slice %mul3A {offsets = [96, 0], sizes = [8, 4096], strides = [1, 1]} : vector<224x4096xf32> to vector<8x4096xf32>
    %add3A_113 = arith.addf %get3A_111, %slice3A_112 : vector<8x4096xf32>
    %swap3A_114 = arith.constant 0 : index
    %swap3A_115 = arith.constant 0 : index
    %swap3A_116 = vector.load %arg6[%swap3A_114, %swap3A_115] : memref<8x4096xf32, #tpu.memory_space<vmem>>, vector<8x4096xf32>
    tpu.vector_store %arg6[%swap3A_114, %swap3A_115], %add3A_113 {strides = array<i32>} : memref<8x4096xf32, #tpu.memory_space<vmem>>, vector<8x4096xf32>,
    %get3A_117 = arith.constant 0 : index
    %get3A_118 = arith.constant 0 : index
    %get3A_119 = vector.load %arg6[%get3A_117, %get3A_118] : memref<8x4096xf32, #tpu.memory_space<vmem>>, vector<8x4096xf32>
    %slice3A_120 = vector.extract_strided_slice %mul3A {offsets = [104, 0], sizes = [8, 4096], strides = [1, 1]} : vector<224x4096xf32> to vector<8x4096xf32>
    %add3A_121 = arith.addf %get3A_119, %slice3A_120 : vector<8x4096xf32>
    %swap3A_122 = arith.constant 0 : index
    %swap3A_123 = arith.constant 0 : index
    %swap3A_124 = vector.load %arg6[%swap3A_122, %swap3A_123] : memref<8x4096xf32, #tpu.memory_space<vmem>>, vector<8x4096xf32>
    tpu.vector_store %arg6[%swap3A_122, %swap3A_123], %add3A_121 {strides = array<i32>} : memref<8x4096xf32, #tpu.memory_space<vmem>>, vector<8x4096xf32>,
    %get3A_125 = arith.constant 0 : index
    %get3A_126 = arith.constant 0 : index
    %get3A_127 = vector.load %arg6[%get3A_125, %get3A_126] : memref<8x4096xf32, #tpu.memory_space<vmem>>, vector<8x4096xf32>
    %slice3A_128 = vector.extract_strided_slice %mul3A {offsets = [112, 0], sizes = [8, 4096], strides = [1, 1]} : vector<224x4096xf32> to vector<8x4096xf32>
    %add3A_129 = arith.addf %get3A_127, %slice3A_128 : vector<8x4096xf32>
    %swap3A_130 = arith.constant 0 : index
    %swap3A_131 = arith.constant 0 : index
    %swap3A_132 = vector.load %arg6[%swap3A_130, %swap3A_131] : memref<8x4096xf32, #tpu.memory_space<vmem>>, vector<8x4096xf32>
    tpu.vector_store %arg6[%swap3A_130, %swap3A_131], %add3A_129 {strides = array<i32>} : memref<8x4096xf32, #tpu.memory_space<vmem>>, vector<8x4096xf32>,
    %get3A_133 = arith.constant 0 : index
    %get3A_134 = arith.constant 0 : index
    %get3A_135 = vector.load %arg6[%get3A_133, %get3A_134] : memref<8x4096xf32, #tpu.memory_space<vmem>>, vector<8x4096xf32>
    %slice3A_136 = vector.extract_strided_slice %mul3A {offsets = [120, 0], sizes = [8, 4096], strides = [1, 1]} : vector<224x4096xf32> to vector<8x4096xf32>
    %add3A_137 = arith.addf %get3A_135, %slice3A_136 : vector<8x4096xf32>
    %swap3A_138 = arith.constant 0 : index
    %swap3A_139 = arith.constant 0 : index
    %swap3A_140 = vector.load %arg6[%swap3A_138, %swap3A_139] : memref<8x4096xf32, #tpu.memory_space<vmem>>, vector<8x4096xf32>
    tpu.vector_store %arg6[%swap3A_138, %swap3A_139], %add3A_137 {strides = array<i32>} : memref<8x4096xf32, #tpu.memory_space<vmem>>, vector<8x4096xf32>,
    %get3A_141 = arith.constant 0 : index
    %get3A_142 = arith.constant 0 : index
    %get3A_143 = vector.load %arg6[%get3A_141, %get3A_142] : memref<8x4096xf32, #tpu.memory_space<vmem>>, vector<8x4096xf32>
    %slice3A_144 = vector.extract_strided_slice %mul3A {offsets = [128, 0], sizes = [8, 4096], strides = [1, 1]} : vector<224x4096xf32> to vector<8x4096xf32>
    %add3A_145 = arith.addf %get3A_143, %slice3A_144 : vector<8x4096xf32>
    %swap3A_146 = arith.constant 0 : index
    %swap3A_147 = arith.constant 0 : index
    %swap3A_148 = vector.load %arg6[%swap3A_146, %swap3A_147] : memref<8x4096xf32, #tpu.memory_space<vmem>>, vector<8x4096xf32>
    tpu.vector_store %arg6[%swap3A_146, %swap3A_147], %add3A_145 {strides = array<i32>} : memref<8x4096xf32, #tpu.memory_space<vmem>>, vector<8x4096xf32>,
    %get3A_149 = arith.constant 0 : index
    %get3A_150 = arith.constant 0 : index
    %get3A_151 = vector.load %arg6[%get3A_149, %get3A_150] : memref<8x4096xf32, #tpu.memory_space<vmem>>, vector<8x4096xf32>
    %slice3A_152 = vector.extract_strided_slice %mul3A {offsets = [136, 0], sizes = [8, 4096], strides = [1, 1]} : vector<224x4096xf32> to vector<8x4096xf32>
    %add3A_153 = arith.addf %get3A_151, %slice3A_152 : vector<8x4096xf32>
    %swap3A_154 = arith.constant 0 : index
    %swap3A_155 = arith.constant 0 : index
    %swap3A_156 = vector.load %arg6[%swap3A_154, %swap3A_155] : memref<8x4096xf32, #tpu.memory_space<vmem>>, vector<8x4096xf32>
    tpu.vector_store %arg6[%swap3A_154, %swap3A_155], %add3A_153 {strides = array<i32>} : memref<8x4096xf32, #tpu.memory_space<vmem>>, vector<8x4096xf32>,
    %get3A_157 = arith.constant 0 : index
    %get3A_158 = arith.constant 0 : index
    %get3A_159 = vector.load %arg6[%get3A_157, %get3A_158] : memref<8x4096xf32, #tpu.memory_space<vmem>>, vector<8x4096xf32>
    %slice3A_160 = vector.extract_strided_slice %mul3A {offsets = [144, 0], sizes = [8, 4096], strides = [1, 1]} : vector<224x4096xf32> to vector<8x4096xf32>
    %add3A_161 = arith.addf %get3A_159, %slice3A_160 : vector<8x4096xf32>
    %swap3A_162 = arith.constant 0 : index
    %swap3A_163 = arith.constant 0 : index
    %swap3A_164 = vector.load %arg6[%swap3A_162, %swap3A_163] : memref<8x4096xf32, #tpu.memory_space<vmem>>, vector<8x4096xf32>
    tpu.vector_store %arg6[%swap3A_162, %swap3A_163], %add3A_161 {strides = array<i32>} : memref<8x4096xf32, #tpu.memory_space<vmem>>, vector<8x4096xf32>,
    %get3A_165 = arith.constant 0 : index
    %get3A_166 = arith.constant 0 : index
    %get3A_167 = vector.load %arg6[%get3A_165, %get3A_166] : memref<8x4096xf32, #tpu.memory_space<vmem>>, vector<8x4096xf32>
    %slice3A_168 = vector.extract_strided_slice %mul3A {offsets = [152, 0], sizes = [8, 4096], strides = [1, 1]} : vector<224x4096xf32> to vector<8x4096xf32>
    %add3A_169 = arith.addf %get3A_167, %slice3A_168 : vector<8x4096xf32>
    %swap3A_170 = arith.constant 0 : index
    %swap3A_171 = arith.constant 0 : index
    %swap3A_172 = vector.load %arg6[%swap3A_170, %swap3A_171] : memref<8x4096xf32, #tpu.memory_space<vmem>>, vector<8x4096xf32>
    tpu.vector_store %arg6[%swap3A_170, %swap3A_171], %add3A_169 {strides = array<i32>} : memref<8x4096xf32, #tpu.memory_space<vmem>>, vector<8x4096xf32>,
    %get3A_173 = arith.constant 0 : index
    %get3A_174 = arith.constant 0 : index
    %get3A_175 = vector.load %arg6[%get3A_173, %get3A_174] : memref<8x4096xf32, #tpu.memory_space<vmem>>, vector<8x4096xf32>
    %slice3A_176 = vector.extract_strided_slice %mul3A {offsets = [160, 0], sizes = [8, 4096], strides = [1, 1]} : vector<224x4096xf32> to vector<8x4096xf32>
    %add3A_177 = arith.addf %get3A_175, %slice3A_176 : vector<8x4096xf32>
    %swap3A_178 = arith.constant 0 : index
    %swap3A_179 = arith.constant 0 : index
    %swap3A_180 = vector.load %arg6[%swap3A_178, %swap3A_179] : memref<8x4096xf32, #tpu.memory_space<vmem>>, vector<8x4096xf32>
    tpu.vector_store %arg6[%swap3A_178, %swap3A_179], %add3A_177 {strides = array<i32>} : memref<8x4096xf32, #tpu.memory_space<vmem>>, vector<8x4096xf32>,
    %get3A_181 = arith.constant 0 : index
    %get3A_182 = arith.constant 0 : index
    %get3A_183 = vector.load %arg6[%get3A_181, %get3A_182] : memref<8x4096xf32, #tpu.memory_space<vmem>>, vector<8x4096xf32>
    %slice3A_184 = vector.extract_strided_slice %mul3A {offsets = [168, 0], sizes = [8, 4096], strides = [1, 1]} : vector<224x4096xf32> to vector<8x4096xf32>
    %add3A_185 = arith.addf %get3A_183, %slice3A_184 : vector<8x4096xf32>
    %swap3A_186 = arith.constant 0 : index
    %swap3A_187 = arith.constant 0 : index
    %swap3A_188 = vector.load %arg6[%swap3A_186, %swap3A_187] : memref<8x4096xf32, #tpu.memory_space<vmem>>, vector<8x4096xf32>
    tpu.vector_store %arg6[%swap3A_186, %swap3A_187], %add3A_185 {strides = array<i32>} : memref<8x4096xf32, #tpu.memory_space<vmem>>, vector<8x4096xf32>,
    %get3A_189 = arith.constant 0 : index
    %get3A_190 = arith.constant 0 : index
    %get3A_191 = vector.load %arg6[%get3A_189, %get3A_190] : memref<8x4096xf32, #tpu.memory_space<vmem>>, vector<8x4096xf32>
    %slice3A_192 = vector.extract_strided_slice %mul3A {offsets = [176, 0], sizes = [8, 4096], strides = [1, 1]} : vector<224x4096xf32> to vector<8x4096xf32>
    %add3A_193 = arith.addf %get3A_191, %slice3A_192 : vector<8x4096xf32>
    %swap3A_194 = arith.constant 0 : index
    %swap3A_195 = arith.constant 0 : index
    %swap3A_196 = vector.load %arg6[%swap3A_194, %swap3A_195] : memref<8x4096xf32, #tpu.memory_space<vmem>>, vector<8x4096xf32>
    tpu.vector_store %arg6[%swap3A_194, %swap3A_195], %add3A_193 {strides = array<i32>} : memref<8x4096xf32, #tpu.memory_space<vmem>>, vector<8x4096xf32>,
    %get3A_197 = arith.constant 0 : index
    %get3A_198 = arith.constant 0 : index
    %get3A_199 = vector.load %arg6[%get3A_197, %get3A_198] : memref<8x4096xf32, #tpu.memory_space<vmem>>, vector<8x4096xf32>
    %slice3A_200 = vector.extract_strided_slice %mul3A {offsets = [184, 0], sizes = [8, 4096], strides = [1, 1]} : vector<224x4096xf32> to vector<8x4096xf32>
    %add3A_201 = arith.addf %get3A_199, %slice3A_200 : vector<8x4096xf32>
    %swap3A_202 = arith.constant 0 : index
    %swap3A_203 = arith.constant 0 : index
    %swap3A_204 = vector.load %arg6[%swap3A_202, %swap3A_203] : memref<8x4096xf32, #tpu.memory_space<vmem>>, vector<8x4096xf32>
    tpu.vector_store %arg6[%swap3A_202, %swap3A_203], %add3A_201 {strides = array<i32>} : memref<8x4096xf32, #tpu.memory_space<vmem>>, vector<8x4096xf32>,
    %get3A_205 = arith.constant 0 : index
    %get3A_206 = arith.constant 0 : index
    %get3A_207 = vector.load %arg6[%get3A_205, %get3A_206] : memref<8x4096xf32, #tpu.memory_space<vmem>>, vector<8x4096xf32>
    %slice3A_208 = vector.extract_strided_slice %mul3A {offsets = [192, 0], sizes = [8, 4096], strides = [1, 1]} : vector<224x4096xf32> to vector<8x4096xf32>
    %add3A_209 = arith.addf %get3A_207, %slice3A_208 : vector<8x4096xf32>
    %swap3A_210 = arith.constant 0 : index
    %swap3A_211 = arith.constant 0 : index
    %swap3A_212 = vector.load %arg6[%swap3A_210, %swap3A_211] : memref<8x4096xf32, #tpu.memory_space<vmem>>, vector<8x4096xf32>
    tpu.vector_store %arg6[%swap3A_210, %swap3A_211], %add3A_209 {strides = array<i32>} : memref<8x4096xf32, #tpu.memory_space<vmem>>, vector<8x4096xf32>,
    %get3A_213 = arith.constant 0 : index
    %get3A_214 = arith.constant 0 : index
    %get3A_215 = vector.load %arg6[%get3A_213, %get3A_214] : memref<8x4096xf32, #tpu.memory_space<vmem>>, vector<8x4096xf32>
    %slice3A_216 = vector.extract_strided_slice %mul3A {offsets = [200, 0], sizes = [8, 4096], strides = [1, 1]} : vector<224x4096xf32> to vector<8x4096xf32>
    %add3A_217 = arith.addf %get3A_215, %slice3A_216 : vector<8x4096xf32>
    %swap3A_218 = arith.constant 0 : index
    %swap3A_219 = arith.constant 0 : index
    %swap3A_220 = vector.load %arg6[%swap3A_218, %swap3A_219] : memref<8x4096xf32, #tpu.memory_space<vmem>>, vector<8x4096xf32>
    tpu.vector_store %arg6[%swap3A_218, %swap3A_219], %add3A_217 {strides = array<i32>} : memref<8x4096xf32, #tpu.memory_space<vmem>>, vector<8x4096xf32>,
    %get3A_221 = arith.constant 0 : index
    %get3A_222 = arith.constant 0 : index
    %get3A_223 = vector.load %arg6[%get3A_221, %get3A_222] : memref<8x4096xf32, #tpu.memory_space<vmem>>, vector<8x4096xf32>
    %slice3A_224 = vector.extract_strided_slice %mul3A {offsets = [208, 0], sizes = [8, 4096], strides = [1, 1]} : vector<224x4096xf32> to vector<8x4096xf32>
    %add3A_225 = arith.addf %get3A_223, %slice3A_224 : vector<8x4096xf32>
    %swap3A_226 = arith.constant 0 : index
    %swap3A_227 = arith.constant 0 : index
    %swap3A_228 = vector.load %arg6[%swap3A_226, %swap3A_227] : memref<8x4096xf32, #tpu.memory_space<vmem>>, vector<8x4096xf32>
    tpu.vector_store %arg6[%swap3A_226, %swap3A_227], %add3A_225 {strides = array<i32>} : memref<8x4096xf32, #tpu.memory_space<vmem>>, vector<8x4096xf32>,
    %get3A_229 = arith.constant 0 : index
    %get3A_230 = arith.constant 0 : index
    %get3A_231 = vector.load %arg6[%get3A_229, %get3A_230] : memref<8x4096xf32, #tpu.memory_space<vmem>>, vector<8x4096xf32>
    %slice3A_232 = vector.extract_strided_slice %mul3A {offsets = [216, 0], sizes = [8, 4096], strides = [1, 1]} : vector<224x4096xf32> to vector<8x4096xf32>
    %add3A_233 = arith.addf %get3A_231, %slice3A_232 : vector<8x4096xf32>
    %swap3A_234 = arith.constant 0 : index
    %swap3A_235 = arith.constant 0 : index
    %swap3A_236 = vector.load %arg6[%swap3A_234, %swap3A_235] : memref<8x4096xf32, #tpu.memory_space<vmem>>, vector<8x4096xf32>
    tpu.vector_store %arg6[%swap3A_234, %swap3A_235], %add3A_233 {strides = array<i32>} : memref<8x4096xf32, #tpu.memory_space<vmem>>, vector<8x4096xf32>,
    %eq3A_237 = arith.constant 3 : i32
    %eq3A_238 = arith.cmpi eq, %arg0, %eq3A_237 : i32
    %convert_element_type3A_239 = arith.extui %eq3A_238 : i1 to i32
    %cond3A_240 = arith.constant 0 : i32
    %cond3A_241 = arith.cmpi ne, %convert_element_type3A_239, %cond3A_240 : i32
    scf.if %cond3A_241 {
      %get3A_242 = arith.constant 0 : index
      %get3A_243 = arith.constant 0 : index
      %get3A_244 = vector.load %arg6[%get3A_242, %get3A_243] : memref<8x4096xf32, #tpu.memory_space<vmem>>, vector<8x4096xf32>
      %reduce_sum3A = vector.shape_cast %get3A_244 : vector<8x4096xf32> to vector<1x8x4096xf32>
      %reduce_sum3A_245 = arith.constant dense<0.000000e+00> : vector<1xf32>
      %reduce_sum3A_246 = vector.multi_reduction <add>, %reduce_sum3A, %reduce_sum3A_245 [1, 2] : vector<1x8x4096xf32> to vector<1xf32>
      %reduce_sum3A_247 = vector.shape_cast %reduce_sum3A_246 : vector<1xf32> to vector<1x1x1xf32>
      %reduce_sum3A_248 = vector.extract %reduce_sum3A_247[0, 0, 0] : f32 from vector<1x1x1xf32>
      %swap3A_249 = arith.constant 0 : index
      %swap3A_250 = arith.constant 0 : index
      %swap3A_251 = memref.load %arg5[%swap3A_249, %swap3A_250] : memref<1x1xf32, #tpu.memory_space<smem>>
      memref.store %reduce_sum3A_248, %arg5[%swap3A_249, %swap3A_250] : memref<1x1xf32, #tpu.memory_space<smem>>
    } else {
    }
    return
  }
  func.func @transform_0(%arg0: i32) -> (i32, i32) {
    %c0_i32 = arith.constant 0 : i32
    %c0_i32_0 = arith.constant 0 : i32
    return %arg0, %c0_i32 : i32, i32
  }
  func.func @transform_1(%arg0: i32) -> (i32, i32) {
    %c0_i32 = arith.constant 0 : i32
    %c0_i32_0 = arith.constant 0 : i32
    return %arg0, %c0_i32 : i32, i32
  }
  func.func @transform_2(%arg0: i32) -> (i32, i32) {
    %c0_i32 = arith.constant 0 : i32
    %c0_i32_0 = arith.constant 0 : i32
    return %arg0, %c0_i32 : i32, i32
  }
  func.func @transform_3(%arg0: i32) -> (i32, i32) {
    %add3A = arith.constant 1 : i32
    %add3A_0 = arith.addi %arg0, %add3A : i32
    %mul3A = arith.constant 28 : i32
    %mul3A_1 = arith.muli %add3A_0, %mul3A : i32
    %c0_i32 = arith.constant 0 : i32
    %c0_i32_2 = arith.constant 0 : i32
    return %mul3A_1, %c0_i32 : i32, i32
  }
  func.func @transform_4(%arg0: i32) -> (i32, i32) {
    %c0_i32 = arith.constant 0 : i32
    %c0_i32_0 = arith.constant 0 : i32
    %c0_i32_1 = arith.constant 0 : i32
    return %c0_i32, %c0_i32_0 : i32, i32
  }
}

</mosaic_0001>

<sc_bundles>
// kernel: kernel.4.cloned.1.call-start
scs
__scs_entry_jumppad:
0x0: {  	(pc) =	sbr.rel $0x88, $3  }
0x1: {  	(tag) =	ssettag $0x0;
	lr =	simm.s32 $0x1  }
0x2: {  	[smem:$0x3F9D] =	sst lr;
	_ =	strace $0xD0000000  }
0x3: {  	_ = 	snop  }
0x4: {  	_ = 	snop  }
0x5: {  	_ = 	snop  }
0x6: {  	_ = 	snop  }
0x7: {  	_ = 	snop  }
__scs_overlays_trampoline_lowered:
0x8: {  	[smem:$0x3FAC] =	sst s0  }
0x9: {  	[smem:$0x3FAD] =	sst s1  }
0xa: {  	[smem:$0x3FAE] =	sst s2  }
0xb: {  	[smem:$0x3FAF] =	sst s3  }
0xc: {  	[smem:$0x3FB0] =	sst s4  }
0xd: {  	[smem:$0x3FB1] =	sst s5  }
0xe: {  	[smem:$0x3FB2] =	sst s6  }
0xf: {  	[smem:$0x3FB3] =	sst s7  }
0x10: {  	[smem:$0x3FB4] =	sst s8  }
0x11: {  	[smem:$0x3FB5] =	sst s9;
	s0 =	simm.s32 @!p0 $0x0  }
0x12: {  	s1 =	sld [smem:$0x3F9B];
	s0 =	simm.s32 @p0 $0x1  }
0x13: {  	[smem:$0x3FB6] =	sst s0;
	s0 =	simm.s32 @!p1 $0x0  }
0x14: {  	s2 =	sld [smem:$0x3F9A];
	s0 =	simm.s32 @p1 $0x1  }
0x15: {  	[smem:$0x3FB7] =	sst s0;
	s0 =	simm.s32 @!p2 $0x0  }
0x16: {  	s3 =	sld [smem:$0x3FDB];
	s0 =	simm.s32 @p2 $0x1  }
0x17: {  	s4 =	simm.s32 $0x1BF5;
	[smem:$0x3FB9] =	sst s0  }
0x18: {  	s0 =	sld [smem:$0x3F9C];
	_ =	swait.ge [sflag:s4], $0x0  }
0x19: {  	s7 =	sld [smem:$0x3F9D]  }
0x1a: {  	s8 =	sadd.s32 $0xFFFFE003, lr  }
0x1b: {  	s9 =	sadd.s32 $0xFFFFFEF7, lr;
	s5 =	simm.s32 $0xFFFFFFFF;
	p2 =	slt.u32 s8, $0xFFFFF086  }
0x1c: {  	p1 =	slt.u32 s9, $0xF7A;
	s5 =	simm.s32 @!p2 $0x0  }
0x1d: {  	s5 =	simm.s32 @p1 $0x1;
	p0 =	seq.s32 s7, s2  }
0x1e: {  	s7 =	smul.u32 @!p0 $0xF7A, s2;
	p2 =	seq.s32 @!p0 s5, $0x0  }
0x1f: {  	s9 =	smul.u32 $0xF7A, s1;
	s8 =	simm.s32 @!p0 $0x1BF5;
	p2 =	por !p2, p0  }
0x20: {  	[sflag:s8] =	ssyncset.s32 @!p0 $0xFFFFF086;
	s6 =	sadd.s32 @!p0 s3, s7;
	s7 =	simm.s32 @!p0 $0x108  }
0x21: {  	s3 =	sadd.s32 s3, s9;
	s6 =	sadd.s32 @!p0 $0x88, s6;
	s7 =	simm.s32 @p2 $0x1082  }
0x22: {  	[simem:s7], [sflag:s8] =	dma.local @!p0 [hbm:s6], $0xF7A  }
0x23: {  	s9 =	sor.u32 $0xD0000000, s2;
	s6 =	simm.s32 $0x108;
	_ =	swait.ge @!p0 [sflag:s8], $0x0  }
0x24: {  	s3 =	sadd.s32 $0x88, s3;
	s6 =	simm.s32 @!p1 $0x1082;
	[sflag:s4] =	ssyncset.s32 $0xFFFFF086  }
0x25: {  	[simem:s6], [sflag:s4] =	dma.local [hbm:s3], $0xF7A  }
0x26: {  	[smem:$0x3F9D] =	sst s1;
	(tag) =	ssettag s2;
	_ =	strace s9  }
0x27: {  	s1 =	sld [smem:$0x3FAD]  }
0x28: {  	s2 =	sld [smem:$0x3FAE]  }
0x29: {  	s4 =	sld [smem:$0x3FB0]  }
0x2a: {  	p0 =	seq.s32 s5, $0x0;
	s5 =	sld [smem:$0x3FB1]  }
0x2b: {  	s6 =	sld [smem:$0x3FB2]  }
0x2c: {  	s7 =	sld [smem:$0x3FB3]  }
0x2d: {  	s3 =	simm.s32 $0x108;
	s8 =	sld [smem:$0x3FB4]  }
0x2e: {  	s3 =	simm.s32 @!p0 $0x1082;
	s9 =	sld [smem:$0x3FB5]  }
0x2f: {  	lr =	sadd.s32 s0, s3;
	s0 =	sld [smem:$0x3FAC]  }
0x30: {  	s3 =	sld [smem:$0x3FAF]  }
0x31: {  	[smem:$0x3FB8] =	sst s10  }
0x32: {  	s10 =	sld [smem:$0x3FB6];
	_ =	sdelay $0x3  }
0x33: {  	p0 =	seq.s32 s10, $0x1;
	s10 =	sld [smem:$0x3FB8];
	_ =	sdelay $0x3  }
0x34: {  	[smem:$0x3FB8] =	sst s10  }
0x35: {  	s10 =	sld [smem:$0x3FB7];
	_ =	sdelay $0x3  }
0x36: {  	p1 =	seq.s32 s10, $0x1;
	s10 =	sld [smem:$0x3FB8];
	_ =	sdelay $0x3  }
0x37: {  	[smem:$0x3FB8] =	sst s10  }
0x38: {  	s10 =	sld [smem:$0x3FB9]  }
0x39: {  	_ = 	snop;
	(pc) =	sbr.ind lr, $3  }
0x3a: {  	_ = 	snop  }
0x3b: {  	_ = 	snop  }
0x3c: {  	p2 =	seq.s32 s10, $0x1;
	s10 =	sld [smem:$0x3FB8]  }
0x3d: {  	_ =	shalt  }
0x3e: {  	_ =	shalt  }
0x3f: {  	_ =	shalt  }
0x40: {  	_ =	shalt  }
0x41: {  	_ =	shalt  }
0x42: {  	_ =	shalt  }
0x43: {  	_ =	shalt  }
0x44: {  	_ =	shalt  }
0x45: {  	_ =	shalt  }
0x46: {  	_ =	shalt  }
0x47: {  	_ =	shalt  }
0x48: {  	_ =	shalt  }
0x49: {  	_ =	shalt  }
0x4a: {  	_ =	shalt  }
0x4b: {  	_ =	shalt  }
0x4c: {  	_ =	shalt  }
0x4d: {  	_ =	shalt  }
0x4e: {  	_ =	shalt  }
0x4f: {  	_ =	shalt  }
0x50: {  	_ =	shalt  }
0x51: {  	_ =	shalt  }
0x52: {  	_ =	shalt  }
0x53: {  	_ =	shalt  }
0x54: {  	_ =	shalt  }
0x55: {  	_ =	shalt  }
0x56: {  	_ =	shalt  }
0x57: {  	_ =	shalt  }
0x58: {  	_ =	shalt  }
0x59: {  	_ =	shalt  }
0x5a: {  	_ =	shalt  }
0x5b: {  	_ =	shalt  }
0x5c: {  	_ =	shalt  }
0x5d: {  	_ =	shalt  }
0x5e: {  	_ =	shalt  }
0x5f: {  	_ =	shalt  }
0x60: {  	_ =	shalt  }
0x61: {  	_ =	shalt  }
0x62: {  	_ =	shalt  }
0x63: {  	_ =	shalt  }
0x64: {  	_ =	shalt  }
0x65: {  	_ =	shalt  }
0x66: {  	_ =	shalt  }
0x67: {  	_ =	shalt  }
0x68: {  	_ =	shalt  }
0x69: {  	_ =	shalt  }
0x6a: {  	_ =	shalt  }
0x6b: {  	_ =	shalt  }
0x6c: {  	_ =	shalt  }
0x6d: {  	_ =	shalt  }
0x6e: {  	_ =	shalt  }
0x6f: {  	_ =	shalt  }
0x70: {  	_ =	shalt  }
0x71: {  	_ =	shalt  }
0x72: {  	_ =	shalt  }
0x73: {  	_ =	shalt  }
0x74: {  	_ =	shalt  }
0x75: {  	_ =	shalt  }
0x76: {  	_ =	shalt  }
0x77: {  	_ =	shalt  }
0x78: {  	_ =	shalt  }
0x79: {  	_ =	shalt  }
0x7a: {  	_ =	shalt  }
0x7b: {  	_ =	shalt  }
0x7c: {  	_ =	shalt  }
0x7d: {  	_ =	shalt  }
0x7e: {  	_ =	shalt  }
0x7f: {  	_ =	shalt  }
0x80: {  	_ =	shalt  }
0x81: {  	_ =	shalt  }
0x82: {  	_ =	shalt  }
0x83: {  	_ =	shalt  }
0x84: {  	_ =	shalt  }
0x85: {  	_ =	shalt  }
0x86: {  	_ =	shalt  }
0x87: {  	_ =	shalt  }
.Lfunc_end0:
.L_simem_size_0:
called_computation_lowered:
.L_overlay_start_0:
0x88: {  	s0 =	sld [smem:$0x3FD9]  }
0x89: {  	s1 =	sld [smem:$0x3FFE];
	_ =	sdelay $0x3  }
0x8a: {  	s0 =	sadd.s32 s1, s0  }
0x8b: {  	[smem:$0x3FC4] =	sst s0  }
0x8c: {  	_ = 	snop  }
0x8d: {  	s0 =	sld [smem:$0x3FC9]  }
0x8e: {  	s16 =	sld [smem:$0x3FC8]  }
0x8f: {  	s2 =	sld [smem:$0x3FC7]  }
0x90: {  	s3 =	sld [smem:$0x3FC6];
	(tm) =	ssettm $0x1  }
0x91: {  	s4 =	sld [smem:$0x3FFB];
	_ =	sdelay $0x3  }
0x92: {  	_ =	strace s4  }
0x93: {  	s4 =	sld [smem:$0x3FFC];
	_ =	sdelay $0x3  }
0x94: {  	_ =	strace s4  }
0x95: {  	s4 =	sld [smem:$0x3FFD];
	_ =	sdelay $0x3  }
0x96: {  	_ =	strace s4  }
0x97: {  	_ =	strace $0x8FFFFFFF  }
0x98: {  	s17 =	sld [smem:$0x3FDB];
	_ =	sdelay $0x1  }
0x99: {  	s5 =	simm.s32 $_scs_section_size  }
0x9a: {  	s6 =	simm.s32 $_size__tile_overlayer_lowered;
	s7 =	simm.s32 $_tile_overlayer_lowered  }
0x9b: {  	s20 =	simm.s32 $0x1BFF;
	s19 =	sshll.u32 s7, $0x1;
	s4 =	sadd.s32 s5, s17  }
0x9c: {  	s8 =	simm.s32 $0x0;
	s18 =	sshll.u32 s6, $0x1;
	s6 =	sadd.s32 s19, s4  }
0x9d: {  	[timem:s8], [sflag:s20] =	dma.local [hbm:s6], s18  }
0x9e: {  	_ =	swait.ge [sflag:s20], s18  }
0x9f: {  	s5 =	ssub.s32 $0x0, s18;
	[sflag:s20] =	ssyncset.done $0x0  }
0xa0: {  	[sflag:s20] =	ssyncadd.s32 s5;
	_ =	sdelay $0x1  }
0xa1: {  	s21 =	simm.s32 $0x1B8B  }
0xa2: {  	_ =	swait.ge [sflag:s21], $0x1  }
0xa3: {  	[sflag:s21] =	ssyncset.done $0x0  }
0xa4: {  	s23 =	simm.s32 $0x1B8E;
	s22 =	sld [smem:$0x3FFE];
	[sflag:s21] =	ssyncadd.s32 $0xFFFFFFFF  }
0xa5: {  	s24 =	simm.s32 $execute0_lowered;
	[smem:$0x3FD2] =	sst s23  }
0xa6: {  	s6 =	sshll.u32 s24, $0x1;
	_ =	strace $0x80000046;
	[dreg:$0x1] =	wrdreg $0xFFFFFFFF  }
0xa7: {  	s25 =	simm.s32 $_size_execute0_lowered;
	s4 =	sadd.s32 s4, s6;
	[dreg:$0x0] =	wrdreg $0x0  }
0xa8: {  	s6 =	sshll.u32 s25, $0x1;
	[dreg:$0x2] =	wrdreg s4  }
0xa9: {  	[dreg:$0x3] =	wrdreg s6  }
0xaa: {  	[dreg:$0x4] =	wrdreg $0xC0  }
0xab: {  	_ =	task [dreg:s8], $0x5FFFF  }
0xac: {  	[dreg:$0x1] =	wrdreg $0xFFFFFFFF  }
0xad: {  	[dreg:$0x0] =	wrdreg $0x60  }
0xae: {  	[dreg:$0x2] =	wrdreg s0  }
0xaf: {  	[dreg:$0x3] =	wrdreg s16  }
0xb0: {  	[dreg:$0x4] =	wrdreg s2  }
0xb1: {  	[dreg:$0x5] =	wrdreg s3  }
0xb2: {  	[dreg:$0x6] =	wrdreg s22  }
0xb3: {  	[dreg:$0x7] =	wrdreg $0x9  }
0xb4: {  	_ =	task.clear_ibuf [dreg:s8], $0x8FFFF;
	_ =	strace $0x90000046  }
0xb5: {  	s26 =	simm.s32 $0x9;
	_ =	strace $0x80000048  }
0xb6: {  	_ =	swait.ge [sflag:s26], $0x1  }
0xb7: {  	[sflag:s26] =	ssyncadd.s32 $0xFFFFFFFF  }
0xb8: {  	_ =	strace $0x90000048  }
0xb9: {  	_ =	sfence  }
0xba: {  	s28 =	sld [smem:$0x0];
	_ =	sdelay $0x1  }
0xbb: {  	s29 =	srdreg.scid  }
0xbc: {  	s30 =	sshll.u32 s29, $0xD;
	s31 =	sshrl.u32 s29, $0x2  }
0xbd: {  	s1 =	sand.u32 $0x1, s29;
	s2 =	sand.u32 $0x4000, s30;
	s0 =	sadd.s32 s31, s28  }
0xbe: {  	s1 =	sor.u32 s2, s1;
	s0 =	sshll.u32 s0, $0x11  }
0xbf: {  	s0 =	sor.u32 s0, s1  }
0xc0: {  	s0 =	sadd.s32 $0x8F2B, s0  }
0xc1: {  	[sflag:s0] =	ssyncadd.remote.s32 $0x1  }
0xc2: {  	_ =	sfence.sel $0xFFFF  }
0xc3: {  	[dreg:$0x0] =	wrdreg $0xFFFFFFFF;
	(pc) =	sbr.abs _section_cstart, $3  }
0xc4: {  	[dreg:$0x1] =	wrdreg $0xFFFFFFFF  }
0xc5: {  	_ =	task.clear_ibuf [dreg:s8], $0x2FFFF;
	_ =	strace $0x9FFFFFFF  }
0xc6: {  	(tm) =	ssettm $0x7FFFFFFF  }
0xc7: {  	_ =	shalt  }
tec
execute0_lowered:
.L_overlay_start_1:
0x0: {  	(tag) =	ssettag $0x1  }
0x1: {  	s3 =	rddreg [dreg:$0x0]  }
0x2: {  	s4 =	rddreg [dreg:$0x1]  }
0x3: {  	s5 =	rddreg [dreg:$0x2]  }
0x4: {  	s6 =	rddreg [dreg:$0x3]  }
0x5: {  	s2 =	rddreg [dreg:$0x4]  }
0x6: {  	s0 =	rddreg [dreg:$0x5]  }
0x7: {  	s7 =	simm.s32 $0x0;
	s1 =	stileid.u32;
	s20 =	simm.s32 $0x18000  }
0x8: {  	[smem:$0x7FF] =	sst s7;
	s8 =	sshll.u32 s1, $0x5;
	s9 =	sshll.u32 s1, $0x8  }
0x9: {  	_ =	strace $0x80000047;
	s6 =	sadd.s32 s6, s8;
	s19 =	sor.u32 $0x70000, s9  }
0xa: {  	[tilespmem:s20], [sflag:$0x2] =	stream.linear.gather [hbm4b:s6+s7], $0x100, $0x38;
	[tilespmem:$0x18180] =	vst v63  }
0xb: {  	s21 =	simm.s32 $0x800;
	s22 =	simm.s32 $0x8000;
	s3 =	sadd.s32 s3, s19  }
0xc: {  	[tilespmem:s7], [sflag:$0x1] =	stream.strided.gather [hbm4b:s3+s21], $0x8000, s22, s21, $0x38;
	[tilespmem:$0x18180] =	vst v63  }
0xd: {  	s23 =	sadd.s32 s4, s19  }
0xe: {  	[tilespmem:s22], [sflag:$0x1] =	stream.strided.gather [hbm4b:s23+s21], $0x8000, s22, s21, $0x38;
	[tilespmem:$0x18180] =	vst v63  }
0xf: {  	s25 =	simm.s32 $0x10000;
	s26 =	simm.s32 $0x1;
	s24 =	sadd.s32 s5, s19  }
0x10: {  	[tilespmem:s25], [sflag:$0x1] =	stream.strided.gather [hbm4b:s24+s21], $0x8000, s22, s21, $0x38;
	[tilespmem:$0x18180] =	vst v63  }
0x11: {  	_ =	swait.ge [sflag:s26], $0x8000  }
0x12: {  	[sflag:s26] =	ssyncset.done $0x0  }
0x13: {  	[sflag:s26] =	ssyncadd.s32 $0xFFFF8000  }
0x14: {  	_ =	swait.ge [sflag:s26], $0x8000  }
0x15: {  	[sflag:s26] =	ssyncset.done $0x0  }
0x16: {  	[sflag:s26] =	ssyncadd.s32 $0xFFFF8000  }
0x17: {  	_ =	swait.ge [sflag:s26], $0x8000  }
0x18: {  	[sflag:s26] =	ssyncset.done $0x0  }
0x19: {  	[sflag:s26] =	ssyncadd.s32 $0xFFFF8000  }
0x1a: {  	v1 =	vld [tilespmem:$0x10000]  }
0x1b: {  	v4 =	vld [tilespmem:$0x10010]  }
0x1c: {  	v9 =	vld [tilespmem:$0x10020]  }
0x1d: {  	v10 =	vld [tilespmem:$0x10030]  }
0x1e: {  	v6 =	vld [tilespmem:$0x10040]  }
0x1f: {  	v12 =	vld [tilespmem:$0x10050]  }
0x20: {  	v13 =	vld [tilespmem:$0x10060]  }
0x21: {  	v22 =	vld [tilespmem:$0x10070]  }
0x22: {  	v7 =	vld [tilespmem:$0x10400]  }
0x23: {  	v11 =	vld [tilespmem:$0x10410]  }
0x24: {  	v23 =	vld [tilespmem:$0x10420]  }
0x25: {  	v24 =	vld [tilespmem:$0x10430]  }
0x26: {  	v25 =	vld [tilespmem:$0x10440]  }
0x27: {  	s28 =	simm.s32 $0x0;
	v26 =	vld [tilespmem:$0x10450]  }
0x28: {  	s29 =	sand.u32 $0x7800, s7;
	s3 =	sand.u32 $0x380, s28;
	v27 =	vld [tilespmem:$0x10460]  }
0x29: {  	s3 =	sor.u32 s3, s29;
	v28 =	vld [tilespmem:$0x10470]  }
0x2a: {  	v16 =	vld [tilespmem:s3+$0x8440]  }
0x2b: {  	v17 =	vld [tilespmem:s3+$0x8450]  }
0x2c: {  	v18 =	vld [tilespmem:s3+$0x8460]  }
0x2d: {  	s30 =	simm.s32 $0x80;
	s4 =	simm.s32 $0x100;
	v19 =	vld [tilespmem:s3+$0x8470]  }
0x2e: {  	s5 =	sand.u32 $0x380, s30;
	s31 =	sand.u32 $0xF800, s4;
	v20 =	vld [tilespmem:s3+$0x8400]  }
0x2f: {  	s5 =	sor.u32 s5, s31;
	v21 =	vld [tilespmem:s3+$0x8410]  }
0x30: {  	v2 =	vld [tilespmem:s5+$0x10440]  }
0x31: {  	v5 =	vld [tilespmem:s5+$0x10450]  }
0x32: {  	v3 =	vld [tilespmem:s5+$0x10460]  }
0x33: {  	v0 =	vld [tilespmem:s5+$0x10470]  }
0x34: {  	v29 =	vld [tilespmem:s3+$0x440]  }
0x35: {  	v30 =	vld [tilespmem:s3+$0x450]  }
0x36: {  	v31 =	vld [tilespmem:s3+$0x460]  }
0x37: {  	v32 =	vld [tilespmem:s3+$0x470]  }
0x38: {  	v15 =	vld [tilespmem:s5+$0x10400]  }
0x39: {  	v14 =	vld [tilespmem:s5+$0x10410]  }
0x3a: {  	v8 =	vld [tilespmem:s5+$0x10420]  }
0x3b: {  	v33 =	vld [tilespmem:s3+$0x400]  }
0x3c: {  	v34 =	vld [tilespmem:s3+$0x410]  }
0x3d: {  	v35 =	vld [tilespmem:s3+$0x420]  }
0x3e: {  	v36 =	vld [tilespmem:s3+$0x430]  }
0x3f: {  	v37 =	vld [tilespmem:s3+$0x40]  }
0x40: {  	v38 =	vld [tilespmem:s3+$0x50]  }
0x41: {  	v39 =	vld [tilespmem:s3+$0x60]  }
0x42: {  	v40 =	vld [tilespmem:s3+$0x70]  }
0x43: {  	v41 =	vld [tilespmem:s3+$0x0]  }
0x44: {  	v42 =	vld [tilespmem:s3+$0x10];
	v25 =	vadd.f32 v29, v25  }
0x45: {  	v45 =	vld [tilespmem:s3+$0x30];
	v43 =	vadd.f32 v30, v26;
	v31 =	vadd.f32 v31, v27  }
0x46: {  	v30 =	vld [tilespmem:s3+$0x20];
	v44 =	vadd.f32 v33, v7;
	v32 =	vadd.f32 v32, v28  }
0x47: {  	v46 =	vadd.f32 v34, v11;
	v23 =	vadd.f32 v35, v23;
	v11 =	vld [tilespmem:s5+$0x10430]  }
0x48: {  	v63 =	vadd.f32 v37, v6;
	v47 =	vadd.f32 v36, v24;
	v7 =	vld [tilespmem:s5+$0x10040]  }
0x49: {  	v27 =	vadd.f32 v38, v12;
	v26 =	vadd.f32 v39, v13;
	v6 =	vld [tilespmem:s5+$0x10050]  }
0x4a: {  	v29 =	vadd.f32 v41, v1;
	v28 =	vadd.f32 v40, v22;
	v1 =	vld [tilespmem:s5+$0x10060]  }
0x4b: {  	v33 =	vadd.f32 v42, v4;
	v4 =	vld [tilespmem:s5+$0x10070];
	v34 =	vadd.f32 v45, v10  }
0x4c: {  	v10 =	vld [tilespmem:s5+$0x10010];
	v38 =	vsub.f32 v25, v2;
	v42 =	vsub.f32 v43, v5  }
0x4d: {  	v24 =	vimm.f32 $0.0e+00;
	v39 =	vsub.f32 v31, v3;
	v30 =	vadd.f32 v30, v9;
	v9 =	vld [tilespmem:s5+$0x10000]  }
0x4e: {  	v12 =	vld [tilespmem:s5+$0x10020];
	v22 =	vimm.f32 $0.0e+00;
	v43 =	vsub.f32 v44, v15;
	v40 =	vsub.f32 v32, v0  }
0x4f: {  	v13 =	vld [tilespmem:s5+$0x10030];
	v41 =	vsub.f32 v46, v14;
	v37 =	vsub.f32 v23, v8;
	v25 =	vimm.f32 $0.0e+00  }
0x50: {  	s2 =	sadd.s32 $0x200, s2;
	v44 =	vld [tilespmem:s3+$0x8420];
	v23 =	vimm.f32 $0.0e+00;
	v36 =	vsub.f32 v63, v7;
	v35 =	vsub.f32 v47, v11;
	s5 =	simm.s32 $0x100  }
.LBB2_1:
0x51: {  	p0 =	sne.s32 s5, $0x3F80;
	v45 =	vld [tilespmem:s3+$0x8430];
	v46 =	vsub.f32 v27, v6;
	v47 =	vsub.f32 v26, v1;
	v31 =	vmovc v2;
	v26 =	vmovc v5;
	v27 =	vmov v3  }
0x52: {  	v3 =	vsub.f32 v29, v9;
	v5 =	vsub.f32 v28, v4;
	v29 =	vmovc v0;
	v32 =	vmovc v15;
	v28 =	vmov v14;
	v2 =	vld [tilespmem:s3+$0x8040]  }
0x53: {  	v14 =	vsub.f32 v33, v10;
	v33 =	vmovc v8;
	v0 =	vld [tilespmem:s3+$0x8050];
	v15 =	vsub.f32 v30, v12;
	v30 =	vmov v11  }
0x54: {  	v8 =	vld [tilespmem:s3+$0x8000];
	v11 =	vsub.f32 v34, v13;
	v34 =	vsub.f32 v38, v16  }
0x55: {  	v17 =	vsub.f32 v42, v17;
	v39 =	vsub.f32 v39, v18;
	v38 =	vld [tilespmem:s3+$0x8010]  }
0x56: {  	v20 =	vsub.f32 v43, v20;
	v40 =	vsub.f32 v40, v19;
	v18 =	vld [tilespmem:s3+$0x8020]  }
0x57: {  	s6 =	sadd.s32 $0xFFFFFF80, s5;
	v21 =	vsub.f32 v41, v21;
	v37 =	vsub.f32 v37, v44;
	v19 =	vld [tilespmem:s3+$0x8030]  }
0x58: {  	s7 =	sand.u32 $0x7800, s4;
	s6 =	sand.u32 $0x380, s6;
	v35 =	vsub.f32 v35, v45;
	v2 =	vsub.f32 v36, v2;
	v41 =	vld [tilespmem:s3+$0x8060]  }
0x59: {  	v0 =	vsub.f32 v46, v0;
	v36 =	vld [tilespmem:s3+$0x8070];
	s3 =	sor.u32 s6, s7;
	v3 =	vsub.f32 v3, v8  }
0x5a: {  	v16 =	vld [tilespmem:s3+$0x8440];
	v8 =	vsub.f32 v14, v38;
	v14 =	vmul.f32 v34, v34;
	v34 =	vmul.f32 v17, v17  }
0x5b: {  	v42 =	vmul.f32 v21, v21;
	v38 =	vmul.f32 v20, v20;
	v17 =	vld [tilespmem:s3+$0x8450];
	v15 =	vsub.f32 v15, v18  }
0x5c: {  	v43 =	vmul.f32 v2, v2;
	v0 =	vmul.f32 v0, v0;
	v18 =	vld [tilespmem:s3+$0x8460];
	v11 =	vsub.f32 v11, v19  }
0x5d: {  	s4 =	sadd.s32 $0x100, s4;
	v2 =	vmul.f32 v3, v3;
	v3 =	vmul.f32 v8, v8;
	v19 =	vld [tilespmem:s3+$0x8470];
	v8 =	vsub.f32 v47, v41  }
0x5e: {  	s6 =	sand.u32 $0xF800, s4;
	s7 =	sand.u32 $0x380, s5;
	v15 =	vmul.f32 v15, v15;
	v20 =	vld [tilespmem:s3+$0x8400];
	v11 =	vmul.f32 v11, v11;
	v5 =	vsub.f32 v5, v36  }
0x5f: {  	s6 =	sor.u32 s7, s6;
	v24 =	vadd.f32 v2, v24;
	v3 =	vadd.f32 v3, v25;
	v21 =	vld [tilespmem:s3+$0x8410];
	v8 =	vmul.f32 v8, v8  }
0x60: {  	v15 =	vadd.f32 v15, v23;
	v2 =	vld [tilespmem:s6+$0x10440];
	v11 =	vadd.f32 v11, v22;
	v22 =	vmul.f32 v5, v5  }
0x61: {  	v25 =	vmul.f32 v37, v37;
	v23 =	vadd.f32 v43, v24;
	v24 =	vadd.f32 v0, v3;
	v5 =	vld [tilespmem:s6+$0x10450]  }
0x62: {  	v8 =	vadd.f32 v8, v15;
	v15 =	vmul.f32 v35, v35;
	v3 =	vld [tilespmem:s6+$0x10460];
	v11 =	vadd.f32 v22, v11  }
0x63: {  	v35 =	vmul.f32 v39, v39;
	v22 =	vadd.f32 v38, v23;
	v23 =	vadd.f32 v42, v24;
	v0 =	vld [tilespmem:s6+$0x10470]  }
0x64: {  	v8 =	vadd.f32 v25, v8;
	v36 =	vld [tilespmem:s3+$0x440];
	v11 =	vadd.f32 v15, v11;
	v15 =	vmul.f32 v40, v40  }
0x65: {  	v24 =	vadd.f32 v14, v22;
	v25 =	vadd.f32 v34, v23;
	v37 =	vld [tilespmem:s3+$0x450]  }
0x66: {  	v23 =	vadd.f32 v35, v8;
	v34 =	vld [tilespmem:s3+$0x460];
	v22 =	vadd.f32 v15, v11  }
0x67: {  	v35 =	vld [tilespmem:s3+$0x470]  }
0x68: {  	v15 =	vld [tilespmem:s6+$0x10400]  }
0x69: {  	v14 =	vld [tilespmem:s6+$0x10410]  }
0x6a: {  	v8 =	vld [tilespmem:s6+$0x10420]  }
0x6b: {  	v11 =	vld [tilespmem:s6+$0x10430]  }
0x6c: {  	v38 =	vld [tilespmem:s3+$0x400]  }
0x6d: {  	v39 =	vld [tilespmem:s3+$0x410]  }
0x6e: {  	v40 =	vld [tilespmem:s3+$0x420]  }
0x6f: {  	v41 =	vld [tilespmem:s3+$0x430]  }
0x70: {  	v42 =	vld [tilespmem:s3+$0x40]  }
0x71: {  	v43 =	vld [tilespmem:s3+$0x50]  }
0x72: {  	v44 =	vld [tilespmem:s3+$0x60]  }
0x73: {  	v45 =	vld [tilespmem:s3+$0x70]  }
0x74: {  	v31 =	vadd.f32 v36, v31;
	v46 =	vld [tilespmem:s3+$0x0]  }
0x75: {  	v37 =	vadd.f32 v37, v26;
	v47 =	vadd.f32 v34, v27;
	v36 =	vld [tilespmem:s3+$0x10]  }
0x76: {  	v35 =	vadd.f32 v35, v29;
	v32 =	vadd.f32 v38, v32;
	v34 =	vld [tilespmem:s3+$0x20]  }
0x77: {  	v48 =	vadd.f32 v39, v28;
	v49 =	vadd.f32 v40, v33;
	v38 =	vld [tilespmem:s3+$0x30]  }
0x78: {  	v51 =	vadd.f32 v41, v30;
	v50 =	vadd.f32 v42, v7;
	v7 =	vld [tilespmem:s6+$0x10040]  }
0x79: {  	v27 =	vadd.f32 v43, v6;
	v26 =	vadd.f32 v44, v1;
	v6 =	vld [tilespmem:s6+$0x10050]  }
0x7a: {  	v28 =	vadd.f32 v45, v4;
	v29 =	vadd.f32 v46, v9;
	v1 =	vld [tilespmem:s6+$0x10060]  }
0x7b: {  	v33 =	vadd.f32 v36, v10;
	v4 =	vld [tilespmem:s6+$0x10070];
	v30 =	vadd.f32 v34, v12  }
.Ltmp0:
0x7c: {  	v9 =	vld [tilespmem:s6+$0x10000];
	v34 =	vadd.f32 v38, v13;
	v38 =	vsub.f32 v31, v2;
	(pc) =	sbr.rel @p0 .LBB2_1-.Ltmp0, $4  }
0x7d: {  	v39 =	vsub.f32 v47, v3;
	v42 =	vsub.f32 v37, v5;
	v10 =	vld [tilespmem:s6+$0x10010]  }
0x7e: {  	v40 =	vsub.f32 v35, v0;
	v43 =	vsub.f32 v32, v15;
	v12 =	vld [tilespmem:s6+$0x10020]  }
0x7f: {  	v41 =	vsub.f32 v48, v14;
	v37 =	vsub.f32 v49, v8;
	v13 =	vld [tilespmem:s6+$0x10030]  }
0x80: {  	s5 =	sadd.s32 $0x80, s5;
	v35 =	vsub.f32 v51, v11;
	v36 =	vsub.f32 v50, v7;
	v44 =	vld [tilespmem:s3+$0x8420]  }
0x81: {  	v31 =	vld [tilespmem:s3+$0x8430]  }
0x82: {  	v32 =	vld [tilespmem:s3+$0x8040]  }
0x83: {  	v45 =	vld [tilespmem:s3+$0x8050]  }
0x84: {  	v46 =	vld [tilespmem:s3+$0x8000]  }
0x85: {  	v47 =	vld [tilespmem:s3+$0x8010]  }
0x86: {  	v48 =	vld [tilespmem:s3+$0x8020]  }
0x87: {  	v49 =	vld [tilespmem:s3+$0x8030]  }
0x88: {  	v50 =	vld [tilespmem:s3+$0x8060];
	s28 =	simm.s32 $0x2  }
0x89: {  	v51 =	vld [tilespmem:s3+$0x8070];
	_ =	swait.ge [sflag:s28], $0x100  }
0x8a: {  	[sflag:s28] =	ssyncset.done $0x0  }
0x8b: {  	[sflag:s28] =	ssyncadd.s32 $0xFFFFFF00  }
0x8c: {  	v52 =	vld [tilespmem:$0x18000]  }
0x8d: {  	v61 =	vld [tilespmem:$0x18010]  }
0x8e: {  	v62 =	vld [tilespmem:$0x18020]  }
0x8f: {  	v19 =	vsub.f32 v40, v19;
	v40 =	vld [tilespmem:$0x18030]  }
0x90: {  	v16 =	vsub.f32 v38, v16;
	v21 =	vsub.f32 v41, v21;
	v41 =	vld [tilespmem:$0x18040]  }
0x91: {  	v17 =	vsub.f32 v42, v17;
	v18 =	vsub.f32 v39, v18;
	v42 =	vld [tilespmem:$0x18070]  }
0x92: {  	v20 =	vsub.f32 v43, v20;
	v27 =	vsub.f32 v27, v6;
	v43 =	vld [tilespmem:$0x18080]  }
0x93: {  	v29 =	vsub.f32 v29, v9;
	v37 =	vsub.f32 v37, v44;
	v44 =	vld [tilespmem:$0x18090]  }
0x94: {  	v26 =	vsub.f32 v26, v1;
	v28 =	vsub.f32 v28, v4;
	v63 =	vld [tilespmem:$0x7B80]  }
0x95: {  	v33 =	vsub.f32 v33, v10;
	v30 =	vsub.f32 v30, v12;
	v53 =	vld [tilespmem:$0xFB80]  }
0x96: {  	v34 =	vsub.f32 v34, v13;
	v55 =	vld [tilespmem:$0xFB90];
	v32 =	vsub.f32 v36, v32  }
0x97: {  	v57 =	vld [tilespmem:$0xFBA0];
	v31 =	vsub.f32 v35, v31;
	v29 =	vsub.f32 v29, v46  }
0x98: {  	v27 =	vsub.f32 v27, v45;
	v33 =	vsub.f32 v33, v47;
	v47 =	vld [tilespmem:$0x7B90]  }
0x99: {  	v30 =	vsub.f32 v30, v48;
	v34 =	vsub.f32 v34, v49;
	v49 =	vld [tilespmem:$0x7BA0]  }
0x9a: {  	v26 =	vsub.f32 v26, v50;
	v50 =	vld [tilespmem:$0x7BB0];
	v29 =	vmul.f32 v29, v29;
	v33 =	vmul.f32 v33, v33  }
0x9b: {  	v28 =	vsub.f32 v28, v51;
	v51 =	vld [tilespmem:$0x7BC0];
	v30 =	vmul.f32 v30, v30;
	v34 =	vmul.f32 v34, v34  }
0x9c: {  	v59 =	vld [tilespmem:$0xFBB0];
	v24 =	vadd.f32 v29, v24;
	v25 =	vadd.f32 v33, v25  }
0x9d: {  	v38 =	vld [tilespmem:$0xFBF0];
	v32 =	vmul.f32 v32, v32;
	v23 =	vadd.f32 v30, v23;
	v22 =	vadd.f32 v34, v22  }
0x9e: {  	v36 =	vld [tilespmem:$0x18050];
	v27 =	vmul.f32 v27, v27;
	v54 =	vadd.f32 v63, v9;
	v56 =	vadd.f32 v47, v10  }
0x9f: {  	v35 =	vld [tilespmem:$0x18060];
	v26 =	vmul.f32 v26, v26;
	v58 =	vadd.f32 v49, v12;
	v60 =	vadd.f32 v50, v13  }
0xa0: {  	v45 =	vld [tilespmem:$0x180A0];
	v28 =	vmul.f32 v28, v28;
	v7 =	vadd.f32 v51, v7;
	v24 =	vadd.f32 v32, v24  }
0xa1: {  	v48 =	vmul.f32 v37, v37;
	v37 =	vld [tilespmem:$0xFBE0];
	v25 =	vadd.f32 v27, v25;
	v23 =	vadd.f32 v26, v23  }
0xa2: {  	v20 =	vmul.f32 v20, v20;
	v29 =	vld [tilespmem:$0x180C0];
	v22 =	vadd.f32 v28, v22;
	v9 =	vsub.f32 v54, v52  }
0xa3: {  	v21 =	vmul.f32 v21, v21;
	v63 =	vld [tilespmem:$0x7BF0];
	v10 =	vsub.f32 v56, v61;
	v12 =	vsub.f32 v58, v62  }
0xa4: {  	v31 =	vmul.f32 v31, v31;
	v34 =	vld [tilespmem:$0x7F90];
	v13 =	vsub.f32 v60, v40;
	v7 =	vsub.f32 v7, v41  }
0xa5: {  	v49 =	vld [tilespmem:$0x7FA0];
	v20 =	vadd.f32 v20, v24;
	v21 =	vadd.f32 v21, v25  }
0xa6: {  	v16 =	vmul.f32 v16, v16;
	v50 =	vld [tilespmem:$0x7FB0];
	v23 =	vadd.f32 v48, v23;
	v22 =	vadd.f32 v31, v22  }
0xa7: {  	v17 =	vmul.f32 v17, v17;
	v51 =	vld [tilespmem:$0x7FC0];
	v9 =	vsub.f32 v9, v53;
	v10 =	vsub.f32 v10, v55  }
0xa8: {  	v18 =	vmul.f32 v18, v18;
	v27 =	vld [tilespmem:$0xFBC0];
	v12 =	vsub.f32 v12, v57;
	v13 =	vsub.f32 v13, v59  }
0xa9: {  	v19 =	vmul.f32 v19, v19;
	v32 =	vld [tilespmem:$0x7F80];
	v41 =	vadd.f32 v63, v4;
	v14 =	vadd.f32 v34, v14  }
0xaa: {  	v61 =	vld [tilespmem:$0x7BD0];
	v16 =	vadd.f32 v16, v20;
	v17 =	vadd.f32 v17, v21  }
0xab: {  	v62 =	vld [tilespmem:$0x7BE0];
	v18 =	vadd.f32 v18, v23;
	v19 =	vadd.f32 v19, v22  }
0xac: {  	v33 =	vld [tilespmem:$0x180D0];
	v8 =	vadd.f32 v49, v8;
	v2 =	vadd.f32 v51, v2  }
0xad: {  	v58 =	vld [tilespmem:$0x7FF0];
	v9 =	vmul.f32 v9, v9;
	v59 =	vadd.f32 v50, v11;
	v7 =	vsub.f32 v7, v27  }
0xae: {  	v47 =	vld [tilespmem:$0xFF90];
	v15 =	vadd.f32 v32, v15;
	v4 =	vsub.f32 v41, v42  }
0xaf: {  	v54 =	vld [tilespmem:$0xFFA0];
	v10 =	vmul.f32 v10, v10;
	v14 =	vsub.f32 v14, v44;
	v9 =	vadd.f32 v9, v16  }
0xb0: {  	v53 =	vld [tilespmem:$0x7FD0];
	v12 =	vmul.f32 v12, v12;
	v31 =	vadd.f32 v61, v6;
	v39 =	vadd.f32 v62, v1  }
0xb1: {  	v56 =	vld [tilespmem:$0xFFC0];
	v13 =	vmul.f32 v13, v13;
	v8 =	vsub.f32 v8, v45;
	v2 =	vsub.f32 v2, v29  }
0xb2: {  	v55 =	vld [tilespmem:$0x7FE0];
	v0 =	vadd.f32 v58, v0;
	v10 =	vadd.f32 v10, v17  }
0xb3: {  	v48 =	vld [tilespmem:$0x180F0];
	v12 =	vadd.f32 v12, v18;
	v13 =	vadd.f32 v13, v19  }
0xb4: {  	v40 =	vld [tilespmem:$0xFF80];
	v15 =	vsub.f32 v15, v43;
	v4 =	vsub.f32 v4, v38  }
0xb5: {  	v28 =	vld [tilespmem:$0xFBD0];
	v52 =	vsub.f32 v14, v47;
	v5 =	vadd.f32 v53, v5  }
0xb6: {  	v30 =	vld [tilespmem:$0x180E0];
	v6 =	vsub.f32 v31, v36;
	v1 =	vsub.f32 v39, v35  }
0xb7: {  	v57 =	vld [tilespmem:$0xFFD0];
	v7 =	vmul.f32 v7, v7;
	v8 =	vsub.f32 v8, v54;
	v3 =	vadd.f32 v55, v3  }
0xb8: {  	v61 =	vld [tilespmem:$0xFFE0];
	v2 =	vsub.f32 v2, v56;
	v0 =	vsub.f32 v0, v48  }
0xb9: {  	v46 =	vld [tilespmem:$0x180B0];
	v15 =	vsub.f32 v15, v40;
	v7 =	vadd.f32 v7, v9  }
0xba: {  	v4 =	vmul.f32 v4, v4;
	v5 =	vsub.f32 v5, v33;
	v6 =	vsub.f32 v6, v28  }
0xbb: {  	v60 =	vld [tilespmem:$0xFFB0];
	v9 =	vmul.f32 v52, v52;
	v1 =	vsub.f32 v1, v37;
	v3 =	vsub.f32 v3, v30  }
0xbc: {  	v62 =	vld [tilespmem:$0xFFF0];
	v15 =	vmul.f32 v15, v15;
	v4 =	vadd.f32 v4, v13;
	v6 =	vmul.f32 v6, v6  }
0xbd: {  	v5 =	vsub.f32 v5, v57;
	v1 =	vmul.f32 v1, v1;
	v3 =	vsub.f32 v3, v61  }
0xbe: {  	v8 =	vmul.f32 v8, v8;
	v6 =	vadd.f32 v6, v10;
	v10 =	vsub.f32 v59, v46  }
0xbf: {  	v2 =	vmul.f32 v2, v2;
	v7 =	vadd.f32 v15, v7;
	v1 =	vadd.f32 v1, v12  }
0xc0: {  	v5 =	vmul.f32 v5, v5;
	v6 =	vadd.f32 v9, v6;
	v10 =	vsub.f32 v10, v60  }
0xc1: {  	v0 =	vsub.f32 v0, v62;
	v3 =	vmul.f32 v3, v3;
	v1 =	vadd.f32 v8, v1  }
0xc2: {  	v2 =	vadd.f32 v2, v7;
	v63 =	vmul.f32 v10, v10;
	v5 =	vadd.f32 v5, v6  }
0xc3: {  	v1 =	vadd.f32 v3, v1  }
0xc4: {  	v0 =	vmul.f32 v0, v0;
	v4 =	vadd.f32 v63, v4;
	v2 =	vadd.f32 v5, v2;
	_ =	sdelay $0x1  }
0xc5: {  	v0 =	vadd.f32 v0, v4;
	v1 =	vadd.f32 v1, v2;
	_ =	sdelay $0x1  }
0xc6: {  	v0 =	vadd.f32 v0, v1  }
0xc7: {  	s29 =	sshll.u32 s1, $0x1;
	s30 =	simm.s32 $0x0  }
0xc8: {  	s4 =	simm.s32 $0x18100;
	s31 =	simm.s32 $0x3;
	s2 =	sadd.s32 s2, s29;
	[tilespmem:$0x18100] =	vst v0  }
0xc9: {  	[hbm4b:s2+s30] =	stream.linear.scatter [tilespmem:s4], [sflag:$0x3], $0x10, $0x38;
	[tilespmem:$0x18180] =	vst v63  }
0xca: {  	_ =	swait.ge [sflag:s31], $0x10  }
0xcb: {  	[sflag:s31] =	ssyncset.done $0x0  }
0xcc: {  	[sflag:s31] =	ssyncadd.s32 $0xFFFFFFF0  }
0xcd: {  	_ =	sfence.sel $0x180000  }
0xce: {  	[bflag:$0x0] =	sbarrier.arrive $0xFFFF  }
0xcf: {  	p0 =	sne.s32 s1, $0x0;
	_ =	strace $0x90000047  }
0xd0: {  	s0 =	sadd.s32 @!p0 $0x100000, s0;
	[bflag:$0x2] =	sbarrier.arrive $0xFFFF  }
0xd1: {  	[sflag:s0] =	ssyncadd.tile.s32 @!p0 $0x1;
	_ =	shalt  }
.Lfunc_end2:
_tile_overlayer_lowered:
.L_overlay_start_2:
0xd2: {  	(tag) =	ssettag $0x2  }
0xd3: {  	s0 =	rddreg [dreg:$0x0];
	s2 =	stileid.u32  }
0xd4: {  	s1 =	rddreg [dreg:$0x1];
	p0 =	sne.s32 s2, $0x0  }
0xd5: {  	s3 =	rddreg [dreg:$0x2];
	[bflag:$0x3] =	sbarrier.arrive $0xFFFF;
	s2 =	simm.s32 @!p0 $0x1C03  }
0xd6: {  	[timem:s3], [sflag:s2] =	dma.local @!p0 [hbm:s0], s1  }
0xd7: {  	s0 =	simm.s32 @!p0 $0x3  }
0xd8: {  	_ =	swait.ge @!p0 [sflag:s0], s1  }
0xd9: {  	s1 =	ssub.s32 @!p0 $0x0, s1;
	[sflag:s0] =	ssyncset.done @!p0 $0x0  }
0xda: {  	[sflag:s0] =	ssyncadd.s32 @!p0 s1  }
0xdb: {  	[bflag:$0x3] =	sbarrier.arrive $0xFFFF  }
0xdc: {  	_ =	shalt  }

</sc_bundles>
